<compile_context>
chip_gen: v7x
topology: tpu7x:2x2x1
jax: 0.10.2.dev20260603
libtpu: 0.0.44.dev20260713+nightly
codegen_flags: <defaults>
</compile_context>

<pallas_src>
import functools

import jax
import jax.numpy as jnp
import numpy as np
from jax import lax
from jax.experimental import pallas as pl
from jax.experimental.pallas import tpu as pltpu

S, D, H, DFF, E, K = 2048, 768, 12, 3072, 8, 2
DH = D // H
TQ = 256
NTB = S // TQ
T = 128
PAD = S * K + E * T
NBLK = PAD // T
EPAD = 128
NEG = -1e30


def _qkv_body(x_ref, w_ref, b_ref, o_ref):
    acc = jnp.dot(x_ref[...], w_ref[...], preferred_element_type=jnp.float32)
    o_ref[...] = (acc + b_ref[...]).astype(jnp.bfloat16)


def _attn_body(q_ref, k_ref, v_ref, o_ref):
    q = q_ref[...]
    k = k_ref[...]
    v = v_ref[...]
    lane = lax.broadcasted_iota(jnp.int32, (1, 2 * DH), 1)
    scale = np.float32(1.0 / np.sqrt(DH))
    acc = None
    for hh in range(2):
        msk = (lane >= hh * DH) & (lane < (hh + 1) * DH)
        qm = jnp.where(msk, q, jnp.bfloat16(0))
        km = jnp.where(msk, k, jnp.bfloat16(0))
        vm = jnp.where(msk, v, jnp.bfloat16(0))
        s = lax.dot_general(qm, km, (((1,), (1,)), ((), ())),
                            preferred_element_type=jnp.float32) * scale
        m = jnp.max(s, axis=-1, keepdims=True)
        p = jnp.exp(s - m)
        p = p / jnp.sum(p, axis=-1, keepdims=True)
        o = jnp.dot(p.astype(jnp.bfloat16), vm,
                    preferred_element_type=jnp.float32)
        acc = o if acc is None else acc + o
    o_ref[...] = acc.astype(jnp.bfloat16)


def _post_body(ao_ref, ow_ref, ob_ref, src_ref, g_ref, bt_ref, gw_ref, gb_ref,
               xn_ref, idx_ref, prb_ref, use_ref, aux_ref):
    i = pl.program_id(0)
    t = jnp.dot(ao_ref[...], ow_ref[...], preferred_element_type=jnp.float32)
    t = t + ob_ref[...] + src_ref[...]
    mean = jnp.mean(t, axis=-1, keepdims=True)
    var = jnp.mean((t - mean) ** 2, axis=-1, keepdims=True)
    xn = (t - mean) * lax.rsqrt(var + 1e-5) * g_ref[...] + bt_ref[...]
    xn_ref[...] = xn
    logits = jnp.dot(xn, gw_ref[...], preferred_element_type=jnp.float32)
    logits = logits + gb_ref[...]
    lane = lax.broadcasted_iota(jnp.int32, logits.shape, 1)
    m1 = jnp.max(logits, axis=-1, keepdims=True)
    i1 = jnp.min(jnp.where(logits == m1, lane, 2 ** 30), axis=-1, keepdims=True)
    masked = jnp.where(lane == i1, NEG, logits)
    m2 = jnp.max(masked, axis=-1, keepdims=True)
    i2 = jnp.min(jnp.where(masked == m2, lane, 2 ** 30), axis=-1, keepdims=True)
    p1 = 1.0 / (1.0 + jnp.exp(m2 - m1))
    p2 = 1.0 - p1
    idx_ref[...] = jnp.where(lane == 0, i1, jnp.where(lane == 1, i2, 0))
    prb_ref[...] = jnp.where(lane == 0, p1, jnp.where(lane == 1, p2, 0.0))
    ex = jnp.exp(logits - m1)
    gp = ex / jnp.sum(ex, axis=-1, keepdims=True)
    part = jnp.sum(gp, axis=0, keepdims=True)

    @pl.when(i == 0)
    def _():
        use_ref[...] = jnp.zeros_like(use_ref)

    use_ref[...] += part

    @pl.when(i == pl.num_programs(0) - 1)
    def _():
        u = use_ref[...] / float(S)
        aux_ref[...] = jnp.broadcast_to(float(E) * jnp.sum(u * u), aux_ref.shape)


def _expert_body(be_ref, xnb_ref, tok_ref, w1_ref, b1_ref, w2_ref, b2_ref,
                 sw_ref, y_ref):
    ids = tok_ref[...]
    sel = lax.broadcasted_iota(jnp.int32, (T, S), 1) == ids
    oh = sel.astype(jnp.bfloat16)
    xg = jnp.dot(oh, xnb_ref[...],
                 preferred_element_type=jnp.float32).astype(jnp.bfloat16)
    h = lax.dot_general(xg, w1_ref[0], (((1,), (1,)), ((), ())),
                        preferred_element_type=jnp.float32)
    h = h + b1_ref[0]
    h = 0.5 * h * (1.0 + lax.erf(h * np.float32(1.0 / np.sqrt(2.0))))
    hb = h.astype(jnp.bfloat16)
    y = lax.dot_general(hb, w2_ref[0], (((1,), (1,)), ((), ())),
                        preferred_element_type=jnp.float32)
    y = (y + b2_ref[0]) * sw_ref[...]
    y_ref[...] = y.astype(jnp.bfloat16)


def _combine_body(pos_ref, y_ref, xn_ref, g_ref, bt_ref, o_ref):
    p = pos_ref[...]
    i0 = p[:, 0:1]
    i1 = p[:, 1:2]
    io = lax.broadcasted_iota(jnp.int32, (TQ, PAD), 1)
    m = ((io == i0) | (io == i1)).astype(jnp.bfloat16)
    acc = jnp.dot(m, y_ref[...], preferred_element_type=jnp.float32)
    t = xn_ref[...] + acc
    mean = jnp.mean(t, axis=-1, keepdims=True)
    var = jnp.mean((t - mean) ** 2, axis=-1, keepdims=True)
    o_ref[...] = (t - mean) * lax.rsqrt(var + 1e-5) * g_ref[...] + bt_ref[...]


def kernel(src, in_proj_w, in_proj_b, out_w, out_b, norm1_g, norm1_b,
           gate_w, gate_b, W1, b1, W2, b2, norm2_g, norm2_b):
    src2 = src[0]
    srcb = src2.astype(jnp.bfloat16)

    wqkv = in_proj_w.T.astype(jnp.bfloat16)
    qkv = pl.pallas_call(
        _qkv_body,
        grid=(NTB,),
        in_specs=[pl.BlockSpec((TQ, D), lambda i: (i, 0)),
                  pl.BlockSpec((D, 3 * D), lambda i: (0, 0)),
                  pl.BlockSpec((1, 3 * D), lambda i: (0, 0))],
        out_specs=pl.BlockSpec((TQ, 3 * D), lambda i: (i, 0)),
        out_shape=jax.ShapeDtypeStruct((S, 3 * D), jnp.bfloat16),
    )(srcb, wqkv, in_proj_b[None, :])

    PH = H // 2
    aoc = pl.pallas_call(
        _attn_body,
        grid=(PH, NTB),
        in_specs=[pl.BlockSpec((TQ, 2 * DH), lambda p, i: (i, p)),
                  pl.BlockSpec((S, 2 * DH), lambda p, i: (0, PH + p)),
                  pl.BlockSpec((S, 2 * DH), lambda p, i: (0, 2 * PH + p))],
        out_specs=pl.BlockSpec((TQ, 2 * DH), lambda p, i: (i, p)),
        out_shape=jax.ShapeDtypeStruct((S, D), jnp.bfloat16),
    )(qkv, qkv, qkv)

    owt = out_w.T.astype(jnp.bfloat16)
    gwp = jnp.zeros((D, EPAD), jnp.float32).at[:, :E].set(gate_w.T)
    gbp = jnp.full((1, EPAD), NEG, jnp.float32).at[0, :E].set(gate_b)
    xn, idx_o, prb_o, use_o, aux_o = pl.pallas_call(
        _post_body,
        grid=(NTB,),
        in_specs=[pl.BlockSpec((TQ, D), lambda i: (i, 0)),
                  pl.BlockSpec((D, D), lambda i: (0, 0)),
                  pl.BlockSpec((1, D), lambda i: (0, 0)),
                  pl.BlockSpec((TQ, D), lambda i: (i, 0)),
                  pl.BlockSpec((1, D), lambda i: (0, 0)),
                  pl.BlockSpec((1, D), lambda i: (0, 0)),
                  pl.BlockSpec((D, EPAD), lambda i: (0, 0)),
                  pl.BlockSpec((1, EPAD), lambda i: (0, 0))],
        out_specs=[pl.BlockSpec((TQ, D), lambda i: (i, 0)),
                   pl.BlockSpec((TQ, EPAD), lambda i: (i, 0)),
                   pl.BlockSpec((TQ, EPAD), lambda i: (i, 0)),
                   pl.BlockSpec((1, EPAD), lambda i: (0, 0)),
                   pl.BlockSpec((1, EPAD), lambda i: (0, 0))],
        out_shape=[jax.ShapeDtypeStruct((S, D), jnp.float32),
                   jax.ShapeDtypeStruct((S, EPAD), jnp.int32),
                   jax.ShapeDtypeStruct((S, EPAD), jnp.float32),
                   jax.ShapeDtypeStruct((1, EPAD), jnp.float32),
                   jax.ShapeDtypeStruct((1, EPAD), jnp.float32)],
    )(aoc, owt, out_b[None, :], src2, norm1_g[None, :], norm1_b[None, :],
      gwp, gbp)

    flat_e = idx_o[:, :K].reshape(-1)
    flat_w = prb_o[:, :K].reshape(-1)
    oh = (flat_e[:, None] == jnp.arange(E)[None, :]).astype(jnp.int32)
    ranks = jnp.cumsum(oh, axis=0) - oh
    rank = jnp.take_along_axis(ranks, flat_e[:, None], axis=1)[:, 0]
    counts = jnp.sum(oh, axis=0)
    padded = ((counts + T - 1) // T) * T
    ends = jnp.cumsum(padded)
    offs = ends - padded
    pos = (offs[flat_e] + rank).astype(jnp.int32)
    slot_tok = jnp.zeros((PAD,), jnp.int32).at[pos].set(
        jnp.arange(S * K, dtype=jnp.int32) // K)
    slot_w = jnp.zeros((PAD,), jnp.float32).at[pos].set(flat_w)
    blk_e = jnp.minimum(
        jnp.searchsorted(ends, jnp.arange(NBLK, dtype=jnp.int32) * T,
                         side='right'),
        E - 1).astype(jnp.int32)

    xnb = xn.astype(jnp.bfloat16)
    w1b = W1.astype(jnp.bfloat16)
    w2b = W2.astype(jnp.bfloat16)
    grid_spec = pltpu.PrefetchScalarGridSpec(
        num_scalar_prefetch=1,
        grid=(NBLK,),
        in_specs=[pl.BlockSpec((S, D), lambda b, be: (0, 0)),
                  pl.BlockSpec((T, 1), lambda b, be: (b, 0)),
                  pl.BlockSpec((1, DFF, D), lambda b, be: (be[b], 0, 0)),
                  pl.BlockSpec((1, 1, DFF), lambda b, be: (be[b], 0, 0)),
                  pl.BlockSpec((1, D, DFF), lambda b, be: (be[b], 0, 0)),
                  pl.BlockSpec((1, 1, D), lambda b, be: (be[b], 0, 0)),
                  pl.BlockSpec((T, 1), lambda b, be: (b, 0))],
        out_specs=pl.BlockSpec((T, D), lambda b, be: (b, 0)),
    )
    y = pl.pallas_call(
        _expert_body,
        grid_spec=grid_spec,
        out_shape=jax.ShapeDtypeStruct((PAD, D), jnp.bfloat16),
    )(blk_e, xnb, slot_tok[:, None], w1b, b1[:, None, :], w2b,
      b2[:, None, :], slot_w[:, None])

    out = pl.pallas_call(
        _combine_body,
        grid=(NTB,),
        in_specs=[pl.BlockSpec((TQ, K), lambda i: (i, 0)),
                  pl.BlockSpec((PAD, D), lambda i: (0, 0)),
                  pl.BlockSpec((TQ, D), lambda i: (i, 0)),
                  pl.BlockSpec((1, D), lambda i: (0, 0)),
                  pl.BlockSpec((1, D), lambda i: (0, 0))],
        out_specs=pl.BlockSpec((TQ, D), lambda i: (i, 0)),
        out_shape=jax.ShapeDtypeStruct((S, D), jnp.float32),
    )(pos.reshape(S, K), y, xn, norm2_g[None, :], norm2_b[None, :])

    return out[None], aux_o[0, 0]

# --- scband reference (transcript-rebuilt; emitter-appended) ---
"""Pipeline reference for scband-mo-etransformer-encoder-layer-13606456394103 (READ-ONLY COPY).

The authoritative reference and input builder live on the scoring server;
editing this copy changes nothing except your own understanding.
"""

import jax, jax.numpy as jnp
import numpy as np

B, S, D, H, DFF, E, K = 1, 2048, 768, 12, 3072, 8, 2

def setup_inputs(seed: int = 0):
    key = jax.random.key(seed)
    ks = jax.random.split(key, 8)
    def w(k, shape, s=0.02):
        return jax.random.normal(k, shape, dtype=jnp.float32) * s
    return {
        'src': jax.random.normal(ks[0], (B, S, D), dtype=jnp.float32),
        'in_proj_w': w(ks[1], (3 * D, D)),
        'in_proj_b': jnp.zeros((3 * D,), jnp.float32),
        'out_w': w(ks[2], (D, D)),
        'out_b': jnp.zeros((D,), jnp.float32),
        'norm1_g': jnp.ones((D,), jnp.float32),
        'norm1_b': jnp.zeros((D,), jnp.float32),
        'gate_w': w(ks[3], (E, D)),
        'gate_b': jnp.zeros((E,), jnp.float32),
        'W1': w(ks[4], (E, DFF, D)),
        'b1': jnp.zeros((E, DFF), jnp.float32),
        'W2': w(ks[5], (E, D, DFF)),
        'b2': jnp.zeros((E, D), jnp.float32),
        'norm2_g': jnp.ones((D,), jnp.float32),
        'norm2_b': jnp.zeros((D,), jnp.float32),
    }

def _layernorm(x, g, b):
    m = x.mean(-1, keepdims=True)
    v = ((x - m) ** 2).mean(-1, keepdims=True)
    return (x - m) / jnp.sqrt(v + 1e-5) * g + b

def _forward(src, in_proj_w, in_proj_b, out_w, out_b, norm1_g, norm1_b, gate_w, gate_b, W1, b1, W2, b2, norm2_g, norm2_b):
    B_, S_, D_ = src.shape
    dh = D_ // H
    # SparseMultiheadAttention with window_size=None -> standard MHA (eval mode, no dropout)
    qkv = src @ in_proj_w.T + in_proj_b
    q, k, v = jnp.split(qkv, 3, axis=-1)
    def heads(t):
        return t.reshape(B_, S_, H, dh).transpose(0, 2, 1, 3)
    q, k, v = heads(q), heads(k), heads(v)
    attn = jax.nn.softmax(jnp.einsum('bhqd,bhkd->bhqk', q, k) / np.sqrt(dh).astype(np.float32), axis=-1)
    ao = jnp.einsum('bhqk,bhkd->bhqd', attn, v).transpose(0, 2, 1, 3).reshape(B_, S_, D_)
    ao = ao @ out_w.T + out_b
    x = _layernorm(src + ao, norm1_g, norm1_b)
    # MoE layer (dense expert execution with top-k gating, as in the torch code)
    gate_logits = x @ gate_w.T + gate_b
    topv, topi = jax.lax.top_k(gate_logits, K)
    probs = jax.nn.softmax(topv, axis=-1)
    wgt = (jax.nn.one_hot(topi, E, dtype=x.dtype) * probs[..., None]).sum(axis=-2)  # (B,S,E)
    moe = jnp.zeros_like(x)
    for e in range(E):
        h = jax.nn.gelu(x @ W1[e].T + b1[e], approximate=False)
        y = h @ W2[e].T + b2[e]
        moe = moe + y * wgt[..., e:e + 1]
    gp = jax.nn.softmax(gate_logits, axis=-1)
    usage = gp.mean(axis=(0, 1))
    aux_loss = E * jnp.sum(usage ** 2)
    out = _layernorm(x + moe, norm2_g, norm2_b)
    return out, aux_loss

def reference(src, in_proj_w, in_proj_b, out_w, out_b, norm1_g, norm1_b, gate_w, gate_b, W1, b1, W2, b2, norm2_g, norm2_b):
    return _forward(src, in_proj_w, in_proj_b, out_w, out_b, norm1_g, norm1_b, gate_w, gate_b, W1, b1, W2, b2, norm2_g, norm2_b)

if __name__ == "__main__":
    import jax
    _d = setup_inputs()
    print(jax.jit(kernel)(*tuple(_d.values())))

</pallas_src>

<mosaic_0001>
module attributes {stable_mosaic.version = 14 : i64} {
  func.func @_qkv_body(%arg0: i32, %arg1: memref<256x768xbf16, #tpu.memory_space<vmem>>, %arg2: memref<768x2304xbf16, #tpu.memory_space<vmem>>, %arg3: memref<1x2304xf32, #tpu.memory_space<vmem>>, %arg4: memref<256x2304xbf16, #tpu.memory_space<vmem>>) attributes {dimension_semantics = [#tpu.dimension_semantics<arbitrary>], iteration_bounds = array<i64: 8>, scalar_prefetch = 0 : i64, scratch_operands = 0 : i64, tpu.core_type = #tpu.core_type<tc>, window_params = [{transform_indices = @transform_0, window_bounds = array<i64: 256, 768>}, {pipeline_mode = #tpu.pipeline_mode<synchronous>, transform_indices = @transform_1, window_bounds = array<i64: 768, 2304>}, {pipeline_mode = #tpu.pipeline_mode<synchronous>, transform_indices = @transform_2, window_bounds = array<i64: 1, 2304>}, {transform_indices = @transform_3, window_bounds = array<i64: 256, 2304>}]} {
    %get3A = arith.constant 0 : index
    %get3A_0 = arith.constant 0 : index
    %get3A_1 = vector.load %arg1[%get3A, %get3A_0] : memref<256x768xbf16, #tpu.memory_space<vmem>>, vector<256x768xbf16>
    %get3A_2 = arith.constant 0 : index
    %get3A_3 = arith.constant 0 : index
    %get3A_4 = vector.load %arg2[%get3A_2, %get3A_3] : memref<768x2304xbf16, #tpu.memory_space<vmem>>, vector<768x2304xbf16>
    %dot_general3A = arith.constant dense<0.000000e+00> : vector<256x2304xf32>
    %dot_general3A_5 = tpu.matmul %get3A_1, %get3A_4, %dot_general3A {dimension_numbers = #tpu.dot_dimension_numbers<[1], [0], [0], [1], [0, 0, 1, 1], [], []>, transpose_lhs_hint = false} : vector<256x768xbf16>, vector<768x2304xbf16>, vector<256x2304xf32> -> vector<256x2304xf32>
    %get3A_6 = arith.constant 0 : index
    %get3A_7 = arith.constant 0 : index
    %get3A_8 = vector.load %arg3[%get3A_6, %get3A_7] : memref<1x2304xf32, #tpu.memory_space<vmem>>, vector<1x2304xf32>
    %add3A = vector.broadcast %get3A_8 : vector<1x2304xf32> to vector<256x2304xf32>
    %add3A_9 = arith.addf %dot_general3A_5, %add3A : vector<256x2304xf32>
    %convert_element_type3A = arith.truncf %add3A_9 : vector<256x2304xf32> to vector<256x2304xbf16>
    %swap3A = arith.constant 0 : index
    %swap3A_10 = arith.constant 0 : index
    %swap3A_11 = vector.load %arg4[%swap3A, %swap3A_10] : memref<256x2304xbf16, #tpu.memory_space<vmem>>, vector<256x2304xbf16>
    tpu.vector_store %arg4[%swap3A, %swap3A_10], %convert_element_type3A {strides = array<i32>} : memref<256x2304xbf16, #tpu.memory_space<vmem>>, vector<256x2304xbf16>,
    return
  }
  func.func @transform_0(%arg0: i32) -> (i32, i32) {
    %c0_i32 = arith.constant 0 : i32
    %c0_i32_0 = arith.constant 0 : i32
    return %arg0, %c0_i32 : i32, i32
  }
  func.func @transform_1(%arg0: i32) -> (i32, i32) {
    %c0_i32 = arith.constant 0 : i32
    %c0_i32_0 = arith.constant 0 : i32
    %c0_i32_1 = arith.constant 0 : i32
    return %c0_i32, %c0_i32_0 : i32, i32
  }
  func.func @transform_2(%arg0: i32) -> (i32, i32) {
    %c0_i32 = arith.constant 0 : i32
    %c0_i32_0 = arith.constant 0 : i32
    %c0_i32_1 = arith.constant 0 : i32
    return %c0_i32, %c0_i32_0 : i32, i32
  }
  func.func @transform_3(%arg0: i32) -> (i32, i32) {
    %c0_i32 = arith.constant 0 : i32
    %c0_i32_0 = arith.constant 0 : i32
    return %arg0, %c0_i32 : i32, i32
  }
}

module attributes {stable_mosaic.version = 14 : i64} {
  func.func @_attn_body(%arg0: i32, %arg1: i32, %arg2: memref<256x128xbf16, #tpu.memory_space<vmem>>, %arg3: memref<2048x128xbf16, #tpu.memory_space<vmem>>, %arg4: memref<2048x128xbf16, #tpu.memory_space<vmem>>, %arg5: memref<256x128xbf16, #tpu.memory_space<vmem>>) attributes {dimension_semantics = [#tpu.dimension_semantics<arbitrary>, #tpu.dimension_semantics<arbitrary>], iteration_bounds = array<i64: 6, 8>, scalar_prefetch = 0 : i64, scratch_operands = 0 : i64, tpu.core_type = #tpu.core_type<tc>, window_params = [{transform_indices = @transform_0, window_bounds = array<i64: 256, 128>}, {transform_indices = @transform_1, window_bounds = array<i64: 2048, 128>}, {transform_indices = @transform_2, window_bounds = array<i64: 2048, 128>}, {transform_indices = @transform_3, window_bounds = array<i64: 256, 128>}]} {
    %get3A = arith.constant 0 : index
    %get3A_0 = arith.constant 0 : index
    %get3A_1 = vector.load %arg2[%get3A, %get3A_0] : memref<256x128xbf16, #tpu.memory_space<vmem>>, vector<256x128xbf16>
    %get3A_2 = arith.constant 0 : index
    %get3A_3 = arith.constant 0 : index
    %get3A_4 = vector.load %arg3[%get3A_2, %get3A_3] : memref<2048x128xbf16, #tpu.memory_space<vmem>>, vector<2048x128xbf16>
    %get3A_5 = arith.constant 0 : index
    %get3A_6 = arith.constant 0 : index
    %get3A_7 = vector.load %arg4[%get3A_5, %get3A_6] : memref<2048x128xbf16, #tpu.memory_space<vmem>>, vector<2048x128xbf16>
    %iota3A = tpu.iota {dimensions = array<i32: 1>} : vector<1x128xi32>
    %ge3A = arith.constant 0 : i32
    %ge3A_8 = vector.broadcast %ge3A : i32 to vector<1x128xi32>
    %ge3A_9 = arith.cmpi sge, %iota3A, %ge3A_8 : vector<1x128xi32>
    %lt3A = arith.constant 64 : i32
    %lt3A_10 = vector.broadcast %lt3A : i32 to vector<1x128xi32>
    %lt3A_11 = arith.cmpi slt, %iota3A, %lt3A_10 : vector<1x128xi32>
    %and3A = arith.andi %ge3A_9, %lt3A_11 : vector<1x128xi1>
    %jit3A = arith.constant 0.000000e+00 : bf16
    %broadcast_in_dim3A = vector.shape_cast %and3A : vector<1x128xi1> to vector<1x128xi1>
    %broadcast_in_dim3A_12 = vector.broadcast %broadcast_in_dim3A : vector<1x128xi1> to vector<256x128xi1>
    %broadcast_in_dim3A_13 = vector.broadcast %jit3A : bf16 to vector<256x128xbf16>
    %select_n3A = arith.select %broadcast_in_dim3A_12, %get3A_1, %broadcast_in_dim3A_13 : vector<256x128xi1>, vector<256x128xbf16>
    %jit3A_14 = arith.constant 0.000000e+00 : bf16
    %broadcast_in_dim3A_15 = vector.shape_cast %and3A : vector<1x128xi1> to vector<1x128xi1>
    %broadcast_in_dim3A_16 = vector.broadcast %broadcast_in_dim3A_15 : vector<1x128xi1> to vector<2048x128xi1>
    %broadcast_in_dim3A_17 = vector.broadcast %jit3A_14 : bf16 to vector<2048x128xbf16>
    %select_n3A_18 = arith.select %broadcast_in_dim3A_16, %get3A_4, %broadcast_in_dim3A_17 : vector<2048x128xi1>, vector<2048x128xbf16>
    %jit3A_19 = arith.constant 0.000000e+00 : bf16
    %broadcast_in_dim3A_20 = vector.shape_cast %and3A : vector<1x128xi1> to vector<1x128xi1>
    %broadcast_in_dim3A_21 = vector.broadcast %broadcast_in_dim3A_20 : vector<1x128xi1> to vector<2048x128xi1>
    %broadcast_in_dim3A_22 = vector.broadcast %jit3A_19 : bf16 to vector<2048x128xbf16>
    %select_n3A_23 = arith.select %broadcast_in_dim3A_21, %get3A_7, %broadcast_in_dim3A_22 : vector<2048x128xi1>, vector<2048x128xbf16>
    %dot_general3A = arith.constant dense<0.000000e+00> : vector<256x2048xf32>
    %dot_general3A_24 = tpu.matmul %select_n3A, %select_n3A_18, %dot_general3A {dimension_numbers = #tpu.dot_dimension_numbers<[1], [1], [0], [0], [0, 0, 1, 0], [], []>, transpose_lhs_hint = false} : vector<256x128xbf16>, vector<2048x128xbf16>, vector<256x2048xf32> -> vector<256x2048xf32>
    %mul3A = arith.constant 1.250000e-01 : f32
    %mul3A_25 = vector.broadcast %mul3A : f32 to vector<256x2048xf32>
    %mul3A_26 = arith.mulf %dot_general3A_24, %mul3A_25 : vector<256x2048xf32>
    %reduce_max3A = arith.constant dense<0xFF800000> : vector<256xf32>
    %reduce_max3A_27 = vector.multi_reduction <maximumf>, %mul3A_26, %reduce_max3A [1] : vector<256x2048xf32> to vector<256xf32>
    %broadcast_in_dim3A_28 = vector.shape_cast %reduce_max3A_27 : vector<256xf32> to vector<256x1xf32>
    %sub3A = vector.broadcast %broadcast_in_dim3A_28 : vector<256x1xf32> to vector<256x2048xf32>
    %sub3A_29 = arith.subf %mul3A_26, %sub3A : vector<256x2048xf32>
    %exp3A = math.exp %sub3A_29 : vector<256x2048xf32>
    %reduce_sum3A = arith.constant dense<0.000000e+00> : vector<256xf32>
    %reduce_sum3A_30 = vector.multi_reduction <add>, %exp3A, %reduce_sum3A [1] : vector<256x2048xf32> to vector<256xf32>
    %broadcast_in_dim3A_31 = vector.shape_cast %reduce_sum3A_30 : vector<256xf32> to vector<256x1xf32>
    %div3A = vector.broadcast %broadcast_in_dim3A_31 : vector<256x1xf32> to vector<256x2048xf32>
    %div3A_32 = arith.divf %exp3A, %div3A : vector<256x2048xf32>
    %convert_element_type3A = arith.truncf %div3A_32 : vector<256x2048xf32> to vector<256x2048xbf16>
    %dot_general3A_33 = arith.constant dense<0.000000e+00> : vector<256x128xf32>
    %dot_general3A_34 = tpu.matmul %convert_element_type3A, %select_n3A_23, %dot_general3A_33 {dimension_numbers = #tpu.dot_dimension_numbers<[1], [0], [0], [1], [0, 0, 1, 1], [], []>, transpose_lhs_hint = false} : vector<256x2048xbf16>, vector<2048x128xbf16>, vector<256x128xf32> -> vector<256x128xf32>
    %ge3A_35 = arith.constant 64 : i32
    %ge3A_36 = vector.broadcast %ge3A_35 : i32 to vector<1x128xi32>
    %ge3A_37 = arith.cmpi sge, %iota3A, %ge3A_36 : vector<1x128xi32>
    %lt3A_38 = arith.constant 128 : i32
    %lt3A_39 = vector.broadcast %lt3A_38 : i32 to vector<1x128xi32>
    %lt3A_40 = arith.cmpi slt, %iota3A, %lt3A_39 : vector<1x128xi32>
    %and3A_41 = arith.andi %ge3A_37, %lt3A_40 : vector<1x128xi1>
    %jit3A_42 = arith.constant 0.000000e+00 : bf16
    %broadcast_in_dim3A_43 = vector.shape_cast %and3A_41 : vector<1x128xi1> to vector<1x128xi1>
    %broadcast_in_dim3A_44 = vector.broadcast %broadcast_in_dim3A_43 : vector<1x128xi1> to vector<256x128xi1>
    %broadcast_in_dim3A_45 = vector.broadcast %jit3A_42 : bf16 to vector<256x128xbf16>
    %select_n3A_46 = arith.select %broadcast_in_dim3A_44, %get3A_1, %broadcast_in_dim3A_45 : vector<256x128xi1>, vector<256x128xbf16>
    %jit3A_47 = arith.constant 0.000000e+00 : bf16
    %broadcast_in_dim3A_48 = vector.shape_cast %and3A_41 : vector<1x128xi1> to vector<1x128xi1>
    %broadcast_in_dim3A_49 = vector.broadcast %broadcast_in_dim3A_48 : vector<1x128xi1> to vector<2048x128xi1>
    %broadcast_in_dim3A_50 = vector.broadcast %jit3A_47 : bf16 to vector<2048x128xbf16>
    %select_n3A_51 = arith.select %broadcast_in_dim3A_49, %get3A_4, %broadcast_in_dim3A_50 : vector<2048x128xi1>, vector<2048x128xbf16>
    %jit3A_52 = arith.constant 0.000000e+00 : bf16
    %broadcast_in_dim3A_53 = vector.shape_cast %and3A_41 : vector<1x128xi1> to vector<1x128xi1>
    %broadcast_in_dim3A_54 = vector.broadcast %broadcast_in_dim3A_53 : vector<1x128xi1> to vector<2048x128xi1>
    %broadcast_in_dim3A_55 = vector.broadcast %jit3A_52 : bf16 to vector<2048x128xbf16>
    %select_n3A_56 = arith.select %broadcast_in_dim3A_54, %get3A_7, %broadcast_in_dim3A_55 : vector<2048x128xi1>, vector<2048x128xbf16>
    %dot_general3A_57 = arith.constant dense<0.000000e+00> : vector<256x2048xf32>
    %dot_general3A_58 = tpu.matmul %select_n3A_46, %select_n3A_51, %dot_general3A_57 {dimension_numbers = #tpu.dot_dimension_numbers<[1], [1], [0], [0], [0, 0, 1, 0], [], []>, transpose_lhs_hint = false} : vector<256x128xbf16>, vector<2048x128xbf16>, vector<256x2048xf32> -> vector<256x2048xf32>
    %mul3A_59 = arith.constant 1.250000e-01 : f32
    %mul3A_60 = vector.broadcast %mul3A_59 : f32 to vector<256x2048xf32>
    %mul3A_61 = arith.mulf %dot_general3A_58, %mul3A_60 : vector<256x2048xf32>
    %reduce_max3A_62 = arith.constant dense<0xFF800000> : vector<256xf32>
    %reduce_max3A_63 = vector.multi_reduction <maximumf>, %mul3A_61, %reduce_max3A_62 [1] : vector<256x2048xf32> to vector<256xf32>
    %broadcast_in_dim3A_64 = vector.shape_cast %reduce_max3A_63 : vector<256xf32> to vector<256x1xf32>
    %sub3A_65 = vector.broadcast %broadcast_in_dim3A_64 : vector<256x1xf32> to vector<256x2048xf32>
    %sub3A_66 = arith.subf %mul3A_61, %sub3A_65 : vector<256x2048xf32>
    %exp3A_67 = math.exp %sub3A_66 : vector<256x2048xf32>
    %reduce_sum3A_68 = arith.constant dense<0.000000e+00> : vector<256xf32>
    %reduce_sum3A_69 = vector.multi_reduction <add>, %exp3A_67, %reduce_sum3A_68 [1] : vector<256x2048xf32> to vector<256xf32>
    %broadcast_in_dim3A_70 = vector.shape_cast %reduce_sum3A_69 : vector<256xf32> to vector<256x1xf32>
    %div3A_71 = vector.broadcast %broadcast_in_dim3A_70 : vector<256x1xf32> to vector<256x2048xf32>
    %div3A_72 = arith.divf %exp3A_67, %div3A_71 : vector<256x2048xf32>
    %convert_element_type3A_73 = arith.truncf %div3A_72 : vector<256x2048xf32> to vector<256x2048xbf16>
    %dot_general3A_74 = arith.constant dense<0.000000e+00> : vector<256x128xf32>
    %dot_general3A_75 = tpu.matmul %convert_element_type3A_73, %select_n3A_56, %dot_general3A_74 {dimension_numbers = #tpu.dot_dimension_numbers<[1], [0], [0], [1], [0, 0, 1, 1], [], []>, transpose_lhs_hint = false} : vector<256x2048xbf16>, vector<2048x128xbf16>, vector<256x128xf32> -> vector<256x128xf32>
    %add3A = arith.addf %dot_general3A_34, %dot_general3A_75 : vector<256x128xf32>
    %convert_element_type3A_76 = arith.truncf %add3A : vector<256x128xf32> to vector<256x128xbf16>
    %swap3A = arith.constant 0 : index
    %swap3A_77 = arith.constant 0 : index
    %swap3A_78 = vector.load %arg5[%swap3A, %swap3A_77] : memref<256x128xbf16, #tpu.memory_space<vmem>>, vector<256x128xbf16>
    tpu.vector_store %arg5[%swap3A, %swap3A_77], %convert_element_type3A_76 {strides = array<i32>} : memref<256x128xbf16, #tpu.memory_space<vmem>>, vector<256x128xbf16>,
    return
  }
  func.func @transform_0(%arg0: i32, %arg1: i32) -> (i32, i32) {
    %c0_i32 = arith.constant 0 : i32
    return %arg1, %arg0 : i32, i32
  }
  func.func @transform_1(%arg0: i32, %arg1: i32) -> (i32, i32) {
    %add3A = arith.constant 6 : i32
    %add3A_0 = arith.addi %add3A, %arg0 : i32
    %c0_i32 = arith.constant 0 : i32
    %c0_i32_1 = arith.constant 0 : i32
    return %c0_i32, %add3A_0 : i32, i32
  }
  func.func @transform_2(%arg0: i32, %arg1: i32) -> (i32, i32) {
    %add3A = arith.constant 12 : i32
    %add3A_0 = arith.addi %add3A, %arg0 : i32
    %c0_i32 = arith.constant 0 : i32
    %c0_i32_1 = arith.constant 0 : i32
    return %c0_i32, %add3A_0 : i32, i32
  }
  func.func @transform_3(%arg0: i32, %arg1: i32) -> (i32, i32) {
    %c0_i32 = arith.constant 0 : i32
    return %arg1, %arg0 : i32, i32
  }
}

module attributes {stable_mosaic.version = 14 : i64} {
  func.func @_post_body(%arg0: i32, %arg1: memref<256x768xbf16, #tpu.memory_space<vmem>>, %arg2: memref<768x768xbf16, #tpu.memory_space<vmem>>, %arg3: memref<1x768xf32, #tpu.memory_space<vmem>>, %arg4: memref<256x768xf32, #tpu.memory_space<vmem>>, %arg5: memref<1x768xf32, #tpu.memory_space<vmem>>, %arg6: memref<1x768xf32, #tpu.memory_space<vmem>>, %arg7: memref<768x128xf32, #tpu.memory_space<vmem>>, %arg8: memref<1x128xf32, #tpu.memory_space<vmem>>, %arg9: memref<256x768xf32, #tpu.memory_space<vmem>>, %arg10: memref<256x128xi32, #tpu.memory_space<vmem>>, %arg11: memref<256x128xf32, #tpu.memory_space<vmem>>, %arg12: memref<1x128xf32, #tpu.memory_space<vmem>>, %arg13: memref<1x128xf32, #tpu.memory_space<vmem>>) attributes {dimension_semantics = [#tpu.dimension_semantics<arbitrary>], iteration_bounds = array<i64: 8>, scalar_prefetch = 0 : i64, scratch_operands = 0 : i64, tpu.core_type = #tpu.core_type<tc>, window_params = [{transform_indices = @transform_0, window_bounds = array<i64: 256, 768>}, {pipeline_mode = #tpu.pipeline_mode<synchronous>, transform_indices = @transform_1, window_bounds = array<i64: 768, 768>}, {pipeline_mode = #tpu.pipeline_mode<synchronous>, transform_indices = @transform_2, window_bounds = array<i64: 1, 768>}, {transform_indices = @transform_3, window_bounds = array<i64: 256, 768>}, {pipeline_mode = #tpu.pipeline_mode<synchronous>, transform_indices = @transform_4, window_bounds = array<i64: 1, 768>}, {pipeline_mode = #tpu.pipeline_mode<synchronous>, transform_indices = @transform_5, window_bounds = array<i64: 1, 768>}, {pipeline_mode = #tpu.pipeline_mode<synchronous>, transform_indices = @transform_6, window_bounds = array<i64: 768, 128>}, {pipeline_mode = #tpu.pipeline_mode<synchronous>, transform_indices = @transform_7, window_bounds = array<i64: 1, 128>}, {transform_indices = @transform_8, window_bounds = array<i64: 256, 768>}, {transform_indices = @transform_9, window_bounds = array<i64: 256, 128>}, {transform_indices = @transform_10, window_bounds = array<i64: 256, 128>}, {pipeline_mode = #tpu.pipeline_mode<synchronous>, transform_indices = @transform_11, window_bounds = array<i64: 1, 128>}, {pipeline_mode = #tpu.pipeline_mode<synchronous>, transform_indices = @transform_12, window_bounds = array<i64: 1, 128>}]} {
    %get3A = arith.constant 0 : index
    %get3A_0 = arith.constant 0 : index
    %get3A_1 = vector.load %arg1[%get3A, %get3A_0] : memref<256x768xbf16, #tpu.memory_space<vmem>>, vector<256x768xbf16>
    %get3A_2 = arith.constant 0 : index
    %get3A_3 = arith.constant 0 : index
    %get3A_4 = vector.load %arg2[%get3A_2, %get3A_3] : memref<768x768xbf16, #tpu.memory_space<vmem>>, vector<768x768xbf16>
    %dot_general3A = arith.constant dense<0.000000e+00> : vector<256x768xf32>
    %dot_general3A_5 = tpu.matmul %get3A_1, %get3A_4, %dot_general3A {dimension_numbers = #tpu.dot_dimension_numbers<[1], [0], [0], [1], [0, 0, 1, 1], [], []>, transpose_lhs_hint = false} : vector<256x768xbf16>, vector<768x768xbf16>, vector<256x768xf32> -> vector<256x768xf32>
    %get3A_6 = arith.constant 0 : index
    %get3A_7 = arith.constant 0 : index
    %get3A_8 = vector.load %arg3[%get3A_6, %get3A_7] : memref<1x768xf32, #tpu.memory_space<vmem>>, vector<1x768xf32>
    %add3A = vector.broadcast %get3A_8 : vector<1x768xf32> to vector<256x768xf32>
    %add3A_9 = arith.addf %dot_general3A_5, %add3A : vector<256x768xf32>
    %get3A_10 = arith.constant 0 : index
    %get3A_11 = arith.constant 0 : index
    %get3A_12 = vector.load %arg4[%get3A_10, %get3A_11] : memref<256x768xf32, #tpu.memory_space<vmem>>, vector<256x768xf32>
    %add3A_13 = arith.addf %add3A_9, %get3A_12 : vector<256x768xf32>
    %reduce_sum3A = arith.constant dense<0.000000e+00> : vector<256xf32>
    %reduce_sum3A_14 = vector.multi_reduction <add>, %add3A_13, %reduce_sum3A [1] : vector<256x768xf32> to vector<256xf32>
    %broadcast_in_dim3A = vector.shape_cast %reduce_sum3A_14 : vector<256xf32> to vector<256x1xf32>
    %div3A = arith.constant 7.680000e+02 : f32
    %div3A_15 = vector.broadcast %div3A : f32 to vector<256x1xf32>
    %div3A_16 = arith.divf %broadcast_in_dim3A, %div3A_15 : vector<256x1xf32>
    %sub3A = vector.broadcast %div3A_16 : vector<256x1xf32> to vector<256x768xf32>
    %sub3A_17 = arith.subf %add3A_13, %sub3A : vector<256x768xf32>
    %integer_pow3A = arith.mulf %sub3A_17, %sub3A_17 : vector<256x768xf32>
    %reduce_sum3A_18 = arith.constant dense<0.000000e+00> : vector<256xf32>
    %reduce_sum3A_19 = vector.multi_reduction <add>, %integer_pow3A, %reduce_sum3A_18 [1] : vector<256x768xf32> to vector<256xf32>
    %broadcast_in_dim3A_20 = vector.shape_cast %reduce_sum3A_19 : vector<256xf32> to vector<256x1xf32>
    %div3A_21 = arith.constant 7.680000e+02 : f32
    %div3A_22 = vector.broadcast %div3A_21 : f32 to vector<256x1xf32>
    %div3A_23 = arith.divf %broadcast_in_dim3A_20, %div3A_22 : vector<256x1xf32>
    %sub3A_24 = vector.broadcast %div3A_16 : vector<256x1xf32> to vector<256x768xf32>
    %sub3A_25 = arith.subf %add3A_13, %sub3A_24 : vector<256x768xf32>
    %add3A_26 = arith.constant 9.99999974E-6 : f32
    %add3A_27 = vector.broadcast %add3A_26 : f32 to vector<256x1xf32>
    %add3A_28 = arith.addf %div3A_23, %add3A_27 : vector<256x1xf32>
    %rsqrt3A = math.rsqrt %add3A_28 : vector<256x1xf32>
    %mul3A = vector.broadcast %rsqrt3A : vector<256x1xf32> to vector<256x768xf32>
    %mul3A_29 = arith.mulf %sub3A_25, %mul3A : vector<256x768xf32>
    %get3A_30 = arith.constant 0 : index
    %get3A_31 = arith.constant 0 : index
    %get3A_32 = vector.load %arg5[%get3A_30, %get3A_31] : memref<1x768xf32, #tpu.memory_space<vmem>>, vector<1x768xf32>
    %mul3A_33 = vector.broadcast %get3A_32 : vector<1x768xf32> to vector<256x768xf32>
    %mul3A_34 = arith.mulf %mul3A_29, %mul3A_33 : vector<256x768xf32>
    %get3A_35 = arith.constant 0 : index
    %get3A_36 = arith.constant 0 : index
    %get3A_37 = vector.load %arg6[%get3A_35, %get3A_36] : memref<1x768xf32, #tpu.memory_space<vmem>>, vector<1x768xf32>
    %add3A_38 = vector.broadcast %get3A_37 : vector<1x768xf32> to vector<256x768xf32>
    %add3A_39 = arith.addf %mul3A_34, %add3A_38 : vector<256x768xf32>
    %swap3A = arith.constant 0 : index
    %swap3A_40 = arith.constant 0 : index
    %swap3A_41 = vector.load %arg9[%swap3A, %swap3A_40] : memref<256x768xf32, #tpu.memory_space<vmem>>, vector<256x768xf32>
    tpu.vector_store %arg9[%swap3A, %swap3A_40], %add3A_39 {strides = array<i32>} : memref<256x768xf32, #tpu.memory_space<vmem>>, vector<256x768xf32>,
    %get3A_42 = arith.constant 0 : index
    %get3A_43 = arith.constant 0 : index
    %get3A_44 = vector.load %arg7[%get3A_42, %get3A_43] : memref<768x128xf32, #tpu.memory_space<vmem>>, vector<768x128xf32>
    %dot_general3A_45 = arith.constant dense<0.000000e+00> : vector<256x128xf32>
    %dot_general3A_46 = tpu.matmul %add3A_39, %get3A_44, %dot_general3A_45 {dimension_numbers = #tpu.dot_dimension_numbers<[1], [0], [0], [1], [0, 0, 1, 1], [], []>, transpose_lhs_hint = false} : vector<256x768xf32>, vector<768x128xf32>, vector<256x128xf32> -> vector<256x128xf32>
    %get3A_47 = arith.constant 0 : index
    %get3A_48 = arith.constant 0 : index
    %get3A_49 = vector.load %arg8[%get3A_47, %get3A_48] : memref<1x128xf32, #tpu.memory_space<vmem>>, vector<1x128xf32>
    %add3A_50 = vector.broadcast %get3A_49 : vector<1x128xf32> to vector<256x128xf32>
    %add3A_51 = arith.addf %dot_general3A_46, %add3A_50 : vector<256x128xf32>
    %iota3A = tpu.iota {dimensions = array<i32: 1>} : vector<256x128xi32>
    %reduce_max3A = arith.constant dense<0xFF800000> : vector<256xf32>
    %reduce_max3A_52 = vector.multi_reduction <maximumf>, %add3A_51, %reduce_max3A [1] : vector<256x128xf32> to vector<256xf32>
    %broadcast_in_dim3A_53 = vector.shape_cast %reduce_max3A_52 : vector<256xf32> to vector<256x1xf32>
    %eq3A = vector.broadcast %broadcast_in_dim3A_53 : vector<256x1xf32> to vector<256x128xf32>
    %eq3A_54 = arith.cmpf oeq, %add3A_51, %eq3A : vector<256x128xf32>
    %jit3A = arith.constant 1073741824 : i32
    %broadcast_in_dim3A_55 = vector.broadcast %jit3A : i32 to vector<256x128xi32>
    %select_n3A = arith.select %eq3A_54, %iota3A, %broadcast_in_dim3A_55 : vector<256x128xi1>, vector<256x128xi32>
    %reduce_min3A = arith.constant dense<2147483647> : vector<256xi32>
    %reduce_min3A_56 = vector.multi_reduction <minsi>, %select_n3A, %reduce_min3A [1] : vector<256x128xi32> to vector<256xi32>
    %broadcast_in_dim3A_57 = vector.shape_cast %reduce_min3A_56 : vector<256xi32> to vector<256x1xi32>
    %eq3A_58 = vector.broadcast %broadcast_in_dim3A_57 : vector<256x1xi32> to vector<256x128xi32>
    %eq3A_59 = arith.cmpi eq, %iota3A, %eq3A_58 : vector<256x128xi32>
    %jit3A_60 = arith.constant -1.000000e+30 : f32
    %broadcast_in_dim3A_61 = vector.broadcast %jit3A_60 : f32 to vector<256x128xf32>
    %select_n3A_62 = arith.select %eq3A_59, %broadcast_in_dim3A_61, %add3A_51 : vector<256x128xi1>, vector<256x128xf32>
    %reduce_max3A_63 = arith.constant dense<0xFF800000> : vector<256xf32>
    %reduce_max3A_64 = vector.multi_reduction <maximumf>, %select_n3A_62, %reduce_max3A_63 [1] : vector<256x128xf32> to vector<256xf32>
    %broadcast_in_dim3A_65 = vector.shape_cast %reduce_max3A_64 : vector<256xf32> to vector<256x1xf32>
    %eq3A_66 = vector.broadcast %broadcast_in_dim3A_65 : vector<256x1xf32> to vector<256x128xf32>
    %eq3A_67 = arith.cmpf oeq, %select_n3A_62, %eq3A_66 : vector<256x128xf32>
    %jit3A_68 = arith.constant 1073741824 : i32
    %broadcast_in_dim3A_69 = vector.broadcast %jit3A_68 : i32 to vector<256x128xi32>
    %select_n3A_70 = arith.select %eq3A_67, %iota3A, %broadcast_in_dim3A_69 : vector<256x128xi1>, vector<256x128xi32>
    %reduce_min3A_71 = arith.constant dense<2147483647> : vector<256xi32>
    %reduce_min3A_72 = vector.multi_reduction <minsi>, %select_n3A_70, %reduce_min3A_71 [1] : vector<256x128xi32> to vector<256xi32>
    %broadcast_in_dim3A_73 = vector.shape_cast %reduce_min3A_72 : vector<256xi32> to vector<256x1xi32>
    %sub3A_74 = arith.subf %broadcast_in_dim3A_65, %broadcast_in_dim3A_53 : vector<256x1xf32>
    %exp3A = math.exp %sub3A_74 : vector<256x1xf32>
    %add3A_75 = arith.constant 1.000000e+00 : f32
    %add3A_76 = vector.broadcast %add3A_75 : f32 to vector<256x1xf32>
    %add3A_77 = arith.addf %add3A_76, %exp3A : vector<256x1xf32>
    %div3A_78 = arith.constant 1.000000e+00 : f32
    %div3A_79 = vector.broadcast %div3A_78 : f32 to vector<256x1xf32>
    %div3A_80 = arith.divf %div3A_79, %add3A_77 : vector<256x1xf32>
    %sub3A_81 = arith.constant 1.000000e+00 : f32
    %sub3A_82 = vector.broadcast %sub3A_81 : f32 to vector<256x1xf32>
    %sub3A_83 = arith.subf %sub3A_82, %div3A_80 : vector<256x1xf32>
    %eq3A_84 = arith.constant 0 : i32
    %eq3A_85 = vector.broadcast %eq3A_84 : i32 to vector<256x128xi32>
    %eq3A_86 = arith.cmpi eq, %iota3A, %eq3A_85 : vector<256x128xi32>
    %eq3A_87 = arith.constant 1 : i32
    %eq3A_88 = vector.broadcast %eq3A_87 : i32 to vector<256x128xi32>
    %eq3A_89 = arith.cmpi eq, %iota3A, %eq3A_88 : vector<256x128xi32>
    %jit3A_90 = arith.constant 0 : i32
    %broadcast_in_dim3A_91 = vector.shape_cast %broadcast_in_dim3A_73 : vector<256x1xi32> to vector<256x1xi32>
    %broadcast_in_dim3A_92 = vector.broadcast %broadcast_in_dim3A_91 : vector<256x1xi32> to vector<256x128xi32>
    %broadcast_in_dim3A_93 = vector.broadcast %jit3A_90 : i32 to vector<256x128xi32>
    %select_n3A_94 = arith.select %eq3A_89, %broadcast_in_dim3A_92, %broadcast_in_dim3A_93 : vector<256x128xi1>, vector<256x128xi32>
    %broadcast_in_dim3A_95 = vector.shape_cast %broadcast_in_dim3A_57 : vector<256x1xi32> to vector<256x1xi32>
    %broadcast_in_dim3A_96 = vector.broadcast %broadcast_in_dim3A_95 : vector<256x1xi32> to vector<256x128xi32>
    %select_n3A_97 = arith.select %eq3A_86, %broadcast_in_dim3A_96, %select_n3A_94 : vector<256x128xi1>, vector<256x128xi32>
    %swap3A_98 = arith.constant 0 : index
    %swap3A_99 = arith.constant 0 : index
    %swap3A_100 = vector.load %arg10[%swap3A_98, %swap3A_99] : memref<256x128xi32, #tpu.memory_space<vmem>>, vector<256x128xi32>
    tpu.vector_store %arg10[%swap3A_98, %swap3A_99], %select_n3A_97 {strides = array<i32>} : memref<256x128xi32, #tpu.memory_space<vmem>>, vector<256x128xi32>,
    %eq3A_101 = arith.constant 0 : i32
    %eq3A_102 = vector.broadcast %eq3A_101 : i32 to vector<256x128xi32>
    %eq3A_103 = arith.cmpi eq, %iota3A, %eq3A_102 : vector<256x128xi32>
    %eq3A_104 = arith.constant 1 : i32
    %eq3A_105 = vector.broadcast %eq3A_104 : i32 to vector<256x128xi32>
    %eq3A_106 = arith.cmpi eq, %iota3A, %eq3A_105 : vector<256x128xi32>
    %jit3A_107 = arith.constant 0.000000e+00 : f32
    %broadcast_in_dim3A_108 = vector.shape_cast %sub3A_83 : vector<256x1xf32> to vector<256x1xf32>
    %broadcast_in_dim3A_109 = vector.broadcast %broadcast_in_dim3A_108 : vector<256x1xf32> to vector<256x128xf32>
    %broadcast_in_dim3A_110 = vector.broadcast %jit3A_107 : f32 to vector<256x128xf32>
    %select_n3A_111 = arith.select %eq3A_106, %broadcast_in_dim3A_109, %broadcast_in_dim3A_110 : vector<256x128xi1>, vector<256x128xf32>
    %broadcast_in_dim3A_112 = vector.shape_cast %div3A_80 : vector<256x1xf32> to vector<256x1xf32>
    %broadcast_in_dim3A_113 = vector.broadcast %broadcast_in_dim3A_112 : vector<256x1xf32> to vector<256x128xf32>
    %select_n3A_114 = arith.select %eq3A_103, %broadcast_in_dim3A_113, %select_n3A_111 : vector<256x128xi1>, vector<256x128xf32>
    %swap3A_115 = arith.constant 0 : index
    %swap3A_116 = arith.constant 0 : index
    %swap3A_117 = vector.load %arg11[%swap3A_115, %swap3A_116] : memref<256x128xf32, #tpu.memory_space<vmem>>, vector<256x128xf32>
    tpu.vector_store %arg11[%swap3A_115, %swap3A_116], %select_n3A_114 {strides = array<i32>} : memref<256x128xf32, #tpu.memory_space<vmem>>, vector<256x128xf32>,
    %sub3A_118 = vector.broadcast %broadcast_in_dim3A_53 : vector<256x1xf32> to vector<256x128xf32>
    %sub3A_119 = arith.subf %add3A_51, %sub3A_118 : vector<256x128xf32>
    %exp3A_120 = math.exp %sub3A_119 : vector<256x128xf32>
    %reduce_sum3A_121 = arith.constant dense<0.000000e+00> : vector<256xf32>
    %reduce_sum3A_122 = vector.multi_reduction <add>, %exp3A_120, %reduce_sum3A_121 [1] : vector<256x128xf32> to vector<256xf32>
    %broadcast_in_dim3A_123 = vector.shape_cast %reduce_sum3A_122 : vector<256xf32> to vector<256x1xf32>
    %div3A_124 = vector.broadcast %broadcast_in_dim3A_123 : vector<256x1xf32> to vector<256x128xf32>
    %div3A_125 = arith.divf %exp3A_120, %div3A_124 : vector<256x128xf32>
    %reduce_sum3A_126 = arith.constant dense<0.000000e+00> : vector<128xf32>
    %reduce_sum3A_127 = vector.multi_reduction <add>, %div3A_125, %reduce_sum3A_126 [0] : vector<256x128xf32> to vector<128xf32>
    %broadcast_in_dim3A_128 = vector.shape_cast %reduce_sum3A_127 : vector<128xf32> to vector<1x128xf32>
    %eq3A_129 = arith.constant 0 : i32
    %eq3A_130 = arith.cmpi eq, %arg0, %eq3A_129 : i32
    %convert_element_type3A = arith.extui %eq3A_130 : i1 to i32
    %cond3A = arith.constant 0 : i32
    %cond3A_131 = arith.cmpi ne, %convert_element_type3A, %cond3A : i32
    scf.if %cond3A_131 {
      %broadcast_in_dim3A_144 = arith.constant 0.000000e+00 : f32
      %broadcast_in_dim3A_145 = vector.broadcast %broadcast_in_dim3A_144 : f32 to vector<1x128xf32>
      %swap3A_146 = arith.constant 0 : index
      %swap3A_147 = arith.constant 0 : index
      %swap3A_148 = vector.load %arg12[%swap3A_146, %swap3A_147] : memref<1x128xf32, #tpu.memory_space<vmem>>, vector<1x128xf32>
      tpu.vector_store %arg12[%swap3A_146, %swap3A_147], %broadcast_in_dim3A_145 {strides = array<i32>} : memref<1x128xf32, #tpu.memory_space<vmem>>, vector<1x128xf32>,
    } else {
    }
    %get3A_132 = arith.constant 0 : index
    %get3A_133 = arith.constant 0 : index
    %get3A_134 = vector.load %arg12[%get3A_132, %get3A_133] : memref<1x128xf32, #tpu.memory_space<vmem>>, vector<1x128xf32>
    %add3A_135 = arith.addf %get3A_134, %broadcast_in_dim3A_128 : vector<1x128xf32>
    %swap3A_136 = arith.constant 0 : index
    %swap3A_137 = arith.constant 0 : index
    %swap3A_138 = vector.load %arg12[%swap3A_136, %swap3A_137] : memref<1x128xf32, #tpu.memory_space<vmem>>, vector<1x128xf32>
    tpu.vector_store %arg12[%swap3A_136, %swap3A_137], %add3A_135 {strides = array<i32>} : memref<1x128xf32, #tpu.memory_space<vmem>>, vector<1x128xf32>,
    %eq3A_139 = arith.constant 7 : i32
    %eq3A_140 = arith.cmpi eq, %arg0, %eq3A_139 : i32
    %convert_element_type3A_141 = arith.extui %eq3A_140 : i1 to i32
    %cond3A_142 = arith.constant 0 : i32
    %cond3A_143 = arith.cmpi ne, %convert_element_type3A_141, %cond3A_142 : i32
    scf.if %cond3A_143 {
      %get3A_144 = arith.constant 0 : index
      %get3A_145 = arith.constant 0 : index
      %get3A_146 = vector.load %arg12[%get3A_144, %get3A_145] : memref<1x128xf32, #tpu.memory_space<vmem>>, vector<1x128xf32>
      %div3A_147 = arith.constant 2.048000e+03 : f32
      %div3A_148 = vector.broadcast %div3A_147 : f32 to vector<1x128xf32>
      %div3A_149 = arith.divf %get3A_146, %div3A_148 : vector<1x128xf32>
      %mul3A_150 = arith.mulf %div3A_149, %div3A_149 : vector<1x128xf32>
      %reduce_sum3A_151 = vector.shape_cast %mul3A_150 : vector<1x128xf32> to vector<1x1x128xf32>
      %reduce_sum3A_152 = arith.constant dense<0.000000e+00> : vector<1xf32>
      %reduce_sum3A_153 = vector.multi_reduction <add>, %reduce_sum3A_151, %reduce_sum3A_152 [1, 2] : vector<1x1x128xf32> to vector<1xf32>
      %reduce_sum3A_154 = vector.shape_cast %reduce_sum3A_153 : vector<1xf32> to vector<1x1x1xf32>
      %reduce_sum3A_155 = vector.extract %reduce_sum3A_154[0, 0, 0] : f32 from vector<1x1x1xf32>
      %mul3A_156 = arith.constant 8.000000e+00 : f32
      %mul3A_157 = arith.mulf %mul3A_156, %reduce_sum3A_155 : f32
      %broadcast_in_dim3A_158 = vector.broadcast %mul3A_157 : f32 to vector<1x128xf32>
      %swap3A_159 = arith.constant 0 : index
      %swap3A_160 = arith.constant 0 : index
      %swap3A_161 = vector.load %arg13[%swap3A_159, %swap3A_160] : memref<1x128xf32, #tpu.memory_space<vmem>>, vector<1x128xf32>
      tpu.vector_store %arg13[%swap3A_159, %swap3A_160], %broadcast_in_dim3A_158 {strides = array<i32>} : memref<1x128xf32, #tpu.memory_space<vmem>>, vector<1x128xf32>,
    } else {
    }
    return
  }
  func.func @transform_0(%arg0: i32) -> (i32, i32) {
    %c0_i32 = arith.constant 0 : i32
    %c0_i32_0 = arith.constant 0 : i32
    return %arg0, %c0_i32 : i32, i32
  }
  func.func @transform_1(%arg0: i32) -> (i32, i32) {
    %c0_i32 = arith.constant 0 : i32
    %c0_i32_0 = arith.constant 0 : i32
    %c0_i32_1 = arith.constant 0 : i32
    return %c0_i32, %c0_i32_0 : i32, i32
  }
  func.func @transform_2(%arg0: i32) -> (i32, i32) {
    %c0_i32 = arith.constant 0 : i32
    %c0_i32_0 = arith.constant 0 : i32
    %c0_i32_1 = arith.constant 0 : i32
    return %c0_i32, %c0_i32_0 : i32, i32
  }
  func.func @transform_3(%arg0: i32) -> (i32, i32) {
    %c0_i32 = arith.constant 0 : i32
    %c0_i32_0 = arith.constant 0 : i32
    return %arg0, %c0_i32 : i32, i32
  }
  func.func @transform_4(%arg0: i32) -> (i32, i32) {
    %c0_i32 = arith.constant 0 : i32
    %c0_i32_0 = arith.constant 0 : i32
    %c0_i32_1 = arith.constant 0 : i32
    return %c0_i32, %c0_i32_0 : i32, i32
  }
  func.func @transform_5(%arg0: i32) -> (i32, i32) {
    %c0_i32 = arith.constant 0 : i32
    %c0_i32_0 = arith.constant 0 : i32
    %c0_i32_1 = arith.constant 0 : i32
    return %c0_i32, %c0_i32_0 : i32, i32
  }
  func.func @transform_6(%arg0: i32) -> (i32, i32) {
    %c0_i32 = arith.constant 0 : i32
    %c0_i32_0 = arith.constant 0 : i32
    %c0_i32_1 = arith.constant 0 : i32
    return %c0_i32, %c0_i32_0 : i32, i32
  }
  func.func @transform_7(%arg0: i32) -> (i32, i32) {
    %c0_i32 = arith.constant 0 : i32
    %c0_i32_0 = arith.constant 0 : i32
    %c0_i32_1 = arith.constant 0 : i32
    return %c0_i32, %c0_i32_0 : i32, i32
  }
  func.func @transform_8(%arg0: i32) -> (i32, i32) {
    %c0_i32 = arith.constant 0 : i32
    %c0_i32_0 = arith.constant 0 : i32
    return %arg0, %c0_i32 : i32, i32
  }
  func.func @transform_9(%arg0: i32) -> (i32, i32) {
    %c0_i32 = arith.constant 0 : i32
    %c0_i32_0 = arith.constant 0 : i32
    return %arg0, %c0_i32 : i32, i32
  }
  func.func @transform_10(%arg0: i32) -> (i32, i32) {
    %c0_i32 = arith.constant 0 : i32
    %c0_i32_0 = arith.constant 0 : i32
    return %arg0, %c0_i32 : i32, i32
  }
  func.func @transform_11(%arg0: i32) -> (i32, i32) {
    %c0_i32 = arith.constant 0 : i32
    %c0_i32_0 = arith.constant 0 : i32
    %c0_i32_1 = arith.constant 0 : i32
    return %c0_i32, %c0_i32_0 : i32, i32
  }
  func.func @transform_12(%arg0: i32) -> (i32, i32) {
    %c0_i32 = arith.constant 0 : i32
    %c0_i32_0 = arith.constant 0 : i32
    %c0_i32_1 = arith.constant 0 : i32
    return %c0_i32, %c0_i32_0 : i32, i32
  }
}

module attributes {stable_mosaic.version = 14 : i64} {
  func.func @_expert_body(%arg0: i32, %arg1: memref<40xi32, #tpu.memory_space<smem>>, %arg2: memref<2048x768xbf16, #tpu.memory_space<vmem>>, %arg3: memref<128x1xi32, #tpu.memory_space<vmem>>, %arg4: memref<1x3072x768xbf16, #tpu.memory_space<vmem>>, %arg5: memref<1x1x3072xf32, #tpu.memory_space<vmem>>, %arg6: memref<1x768x3072xbf16, #tpu.memory_space<vmem>>, %arg7: memref<1x1x768xf32, #tpu.memory_space<vmem>>, %arg8: memref<128x1xf32, #tpu.memory_space<vmem>>, %arg9: memref<128x768xbf16, #tpu.memory_space<vmem>>) attributes {dimension_semantics = [#tpu.dimension_semantics<arbitrary>], iteration_bounds = array<i64: 40>, scalar_prefetch = 1 : i64, scratch_operands = 0 : i64, tpu.core_type = #tpu.core_type<tc>, window_params = [{pipeline_mode = #tpu.pipeline_mode<synchronous>, transform_indices = @transform_0, window_bounds = array<i64: 2048, 768>}, {transform_indices = @transform_1, window_bounds = array<i64: 128, 1>}, {transform_indices = @transform_2, window_bounds = array<i64: 1, 3072, 768>}, {transform_indices = @transform_3, window_bounds = array<i64: 1, 1, 3072>}, {transform_indices = @transform_4, window_bounds = array<i64: 1, 768, 3072>}, {transform_indices = @transform_5, window_bounds = array<i64: 1, 1, 768>}, {transform_indices = @transform_6, window_bounds = array<i64: 128, 1>}, {transform_indices = @transform_7, window_bounds = array<i64: 128, 768>}]} {
    %get3A = arith.constant 0 : index
    %get3A_0 = arith.constant 0 : index
    %get3A_1 = vector.load %arg3[%get3A, %get3A_0] : memref<128x1xi32, #tpu.memory_space<vmem>>, vector<128x1xi32>
    %iota3A = tpu.iota {dimensions = array<i32: 1>} : vector<128x2048xi32>
    %eq3A = vector.broadcast %get3A_1 : vector<128x1xi32> to vector<128x2048xi32>
    %eq3A_2 = arith.cmpi eq, %iota3A, %eq3A : vector<128x2048xi32>
    %convert_element_type3A = arith.extui %eq3A_2 : vector<128x2048xi1> to vector<128x2048xi32>
    %convert_element_type3A_3 = arith.sitofp %convert_element_type3A : vector<128x2048xi32> to vector<128x2048xf32>
    %convert_element_type3A_4 = arith.truncf %convert_element_type3A_3 : vector<128x2048xf32> to vector<128x2048xbf16>
    %get3A_5 = arith.constant 0 : index
    %get3A_6 = arith.constant 0 : index
    %get3A_7 = vector.load %arg2[%get3A_5, %get3A_6] : memref<2048x768xbf16, #tpu.memory_space<vmem>>, vector<2048x768xbf16>
    %dot_general3A = arith.constant dense<0.000000e+00> : vector<128x768xf32>
    %dot_general3A_8 = tpu.matmul %convert_element_type3A_4, %get3A_7, %dot_general3A {dimension_numbers = #tpu.dot_dimension_numbers<[1], [0], [0], [1], [0, 0, 1, 1], [], []>, transpose_lhs_hint = false} : vector<128x2048xbf16>, vector<2048x768xbf16>, vector<128x768xf32> -> vector<128x768xf32>
    %convert_element_type3A_9 = arith.truncf %dot_general3A_8 : vector<128x768xf32> to vector<128x768xbf16>
    %get3A_10 = arith.constant 0 : index
    %get3A_11 = arith.constant 0 : index
    %get3A_12 = arith.constant 0 : index
    %get3A_13 = vector.load %arg4[%get3A_10, %get3A_11, %get3A_12] : memref<1x3072x768xbf16, #tpu.memory_space<vmem>>, vector<1x3072x768xbf16>
    %get3A_14 = vector.shape_cast %get3A_13 : vector<1x3072x768xbf16> to vector<3072x768xbf16>
    %dot_general3A_15 = arith.constant dense<0.000000e+00> : vector<128x3072xf32>
    %dot_general3A_16 = tpu.matmul %convert_element_type3A_9, %get3A_14, %dot_general3A_15 {dimension_numbers = #tpu.dot_dimension_numbers<[1], [1], [0], [0], [0, 0, 1, 0], [], []>, transpose_lhs_hint = false} : vector<128x768xbf16>, vector<3072x768xbf16>, vector<128x3072xf32> -> vector<128x3072xf32>
    %get3A_17 = arith.constant 0 : index
    %get3A_18 = arith.constant 0 : index
    %get3A_19 = arith.constant 0 : index
    %get3A_20 = vector.load %arg5[%get3A_17, %get3A_18, %get3A_19] : memref<1x1x3072xf32, #tpu.memory_space<vmem>>, vector<1x1x3072xf32>
    %get3A_21 = vector.shape_cast %get3A_20 : vector<1x1x3072xf32> to vector<1x3072xf32>
    %add3A = vector.broadcast %get3A_21 : vector<1x3072xf32> to vector<128x3072xf32>
    %add3A_22 = arith.addf %dot_general3A_16, %add3A : vector<128x3072xf32>
    %mul3A = arith.constant 5.000000e-01 : f32
    %mul3A_23 = vector.broadcast %mul3A : f32 to vector<128x3072xf32>
    %mul3A_24 = arith.mulf %mul3A_23, %add3A_22 : vector<128x3072xf32>
    %mul3A_25 = arith.constant 0.707106769 : f32
    %mul3A_26 = vector.broadcast %mul3A_25 : f32 to vector<128x3072xf32>
    %mul3A_27 = arith.mulf %add3A_22, %mul3A_26 : vector<128x3072xf32>
    %erf3A = math.erf %mul3A_27 : vector<128x3072xf32>
    %add3A_28 = arith.constant 1.000000e+00 : f32
    %add3A_29 = vector.broadcast %add3A_28 : f32 to vector<128x3072xf32>
    %add3A_30 = arith.addf %add3A_29, %erf3A : vector<128x3072xf32>
    %mul3A_31 = arith.mulf %mul3A_24, %add3A_30 : vector<128x3072xf32>
    %convert_element_type3A_32 = arith.truncf %mul3A_31 : vector<128x3072xf32> to vector<128x3072xbf16>
    %get3A_33 = arith.constant 0 : index
    %get3A_34 = arith.constant 0 : index
    %get3A_35 = arith.constant 0 : index
    %get3A_36 = vector.load %arg6[%get3A_33, %get3A_34, %get3A_35] : memref<1x768x3072xbf16, #tpu.memory_space<vmem>>, vector<1x768x3072xbf16>
    %get3A_37 = vector.shape_cast %get3A_36 : vector<1x768x3072xbf16> to vector<768x3072xbf16>
    %dot_general3A_38 = arith.constant dense<0.000000e+00> : vector<128x768xf32>
    %dot_general3A_39 = tpu.matmul %convert_element_type3A_32, %get3A_37, %dot_general3A_38 {dimension_numbers = #tpu.dot_dimension_numbers<[1], [1], [0], [0], [0, 0, 1, 0], [], []>, transpose_lhs_hint = false} : vector<128x3072xbf16>, vector<768x3072xbf16>, vector<128x768xf32> -> vector<128x768xf32>
    %get3A_40 = arith.constant 0 : index
    %get3A_41 = arith.constant 0 : index
    %get3A_42 = arith.constant 0 : index
    %get3A_43 = vector.load %arg7[%get3A_40, %get3A_41, %get3A_42] : memref<1x1x768xf32, #tpu.memory_space<vmem>>, vector<1x1x768xf32>
    %get3A_44 = vector.shape_cast %get3A_43 : vector<1x1x768xf32> to vector<1x768xf32>
    %add3A_45 = vector.broadcast %get3A_44 : vector<1x768xf32> to vector<128x768xf32>
    %add3A_46 = arith.addf %dot_general3A_39, %add3A_45 : vector<128x768xf32>
    %get3A_47 = arith.constant 0 : index
    %get3A_48 = arith.constant 0 : index
    %get3A_49 = vector.load %arg8[%get3A_47, %get3A_48] : memref<128x1xf32, #tpu.memory_space<vmem>>, vector<128x1xf32>
    %mul3A_50 = vector.broadcast %get3A_49 : vector<128x1xf32> to vector<128x768xf32>
    %mul3A_51 = arith.mulf %add3A_46, %mul3A_50 : vector<128x768xf32>
    %convert_element_type3A_52 = arith.truncf %mul3A_51 : vector<128x768xf32> to vector<128x768xbf16>
    %swap3A = arith.constant 0 : index
    %swap3A_53 = arith.constant 0 : index
    %swap3A_54 = vector.load %arg9[%swap3A, %swap3A_53] : memref<128x768xbf16, #tpu.memory_space<vmem>>, vector<128x768xbf16>
    tpu.vector_store %arg9[%swap3A, %swap3A_53], %convert_element_type3A_52 {strides = array<i32>} : memref<128x768xbf16, #tpu.memory_space<vmem>>, vector<128x768xbf16>,
    return
  }
  func.func @transform_0(%arg0: i32, %arg1: memref<40xi32, #tpu.memory_space<smem>>) -> (i32, i32) {
    %c0_i32 = arith.constant 0 : i32
    %c0_i32_0 = arith.constant 0 : i32
    %c0_i32_1 = arith.constant 0 : i32
    return %c0_i32, %c0_i32_0 : i32, i32
  }
  func.func @transform_1(%arg0: i32, %arg1: memref<40xi32, #tpu.memory_space<smem>>) -> (i32, i32) {
    %c0_i32 = arith.constant 0 : i32
    %c0_i32_0 = arith.constant 0 : i32
    return %arg0, %c0_i32 : i32, i32
  }
  func.func @transform_2(%arg0: i32, %arg1: memref<40xi32, #tpu.memory_space<smem>>) -> (i32, i32, i32) {
    %get3A = arith.index_cast %arg0 : i32 to index
    %get3A_0 = memref.load %arg1[%get3A] : memref<40xi32, #tpu.memory_space<smem>>
    %c0_i32 = arith.constant 0 : i32
    %c0_i32_1 = arith.constant 0 : i32
    %c0_i32_2 = arith.constant 0 : i32
    return %get3A_0, %c0_i32, %c0_i32_1 : i32, i32, i32
  }
  func.func @transform_3(%arg0: i32, %arg1: memref<40xi32, #tpu.memory_space<smem>>) -> (i32, i32, i32) {
    %get3A = arith.index_cast %arg0 : i32 to index
    %get3A_0 = memref.load %arg1[%get3A] : memref<40xi32, #tpu.memory_space<smem>>
    %c0_i32 = arith.constant 0 : i32
    %c0_i32_1 = arith.constant 0 : i32
    %c0_i32_2 = arith.constant 0 : i32
    return %get3A_0, %c0_i32, %c0_i32_1 : i32, i32, i32
  }
  func.func @transform_4(%arg0: i32, %arg1: memref<40xi32, #tpu.memory_space<smem>>) -> (i32, i32, i32) {
    %get3A = arith.index_cast %arg0 : i32 to index
    %get3A_0 = memref.load %arg1[%get3A] : memref<40xi32, #tpu.memory_space<smem>>
    %c0_i32 = arith.constant 0 : i32
    %c0_i32_1 = arith.constant 0 : i32
    %c0_i32_2 = arith.constant 0 : i32
    return %get3A_0, %c0_i32, %c0_i32_1 : i32, i32, i32
  }
  func.func @transform_5(%arg0: i32, %arg1: memref<40xi32, #tpu.memory_space<smem>>) -> (i32, i32, i32) {
    %get3A = arith.index_cast %arg0 : i32 to index
    %get3A_0 = memref.load %arg1[%get3A] : memref<40xi32, #tpu.memory_space<smem>>
    %c0_i32 = arith.constant 0 : i32
    %c0_i32_1 = arith.constant 0 : i32
    %c0_i32_2 = arith.constant 0 : i32
    return %get3A_0, %c0_i32, %c0_i32_1 : i32, i32, i32
  }
  func.func @transform_6(%arg0: i32, %arg1: memref<40xi32, #tpu.memory_space<smem>>) -> (i32, i32) {
    %c0_i32 = arith.constant 0 : i32
    %c0_i32_0 = arith.constant 0 : i32
    return %arg0, %c0_i32 : i32, i32
  }
  func.func @transform_7(%arg0: i32, %arg1: memref<40xi32, #tpu.memory_space<smem>>) -> (i32, i32) {
    %c0_i32 = arith.constant 0 : i32
    %c0_i32_0 = arith.constant 0 : i32
    return %arg0, %c0_i32 : i32, i32
  }
}

module attributes {stable_mosaic.version = 14 : i64} {
  func.func @_combine_body(%arg0: i32, %arg1: memref<256x2xi32, #tpu.memory_space<vmem>>, %arg2: memref<5120x768xbf16, #tpu.memory_space<vmem>>, %arg3: memref<256x768xf32, #tpu.memory_space<vmem>>, %arg4: memref<1x768xf32, #tpu.memory_space<vmem>>, %arg5: memref<1x768xf32, #tpu.memory_space<vmem>>, %arg6: memref<256x768xf32, #tpu.memory_space<vmem>>) attributes {dimension_semantics = [#tpu.dimension_semantics<arbitrary>], iteration_bounds = array<i64: 8>, scalar_prefetch = 0 : i64, scratch_operands = 0 : i64, tpu.core_type = #tpu.core_type<tc>, window_params = [{transform_indices = @transform_0, window_bounds = array<i64: 256, 2>}, {pipeline_mode = #tpu.pipeline_mode<synchronous>, transform_indices = @transform_1, window_bounds = array<i64: 5120, 768>}, {transform_indices = @transform_2, window_bounds = array<i64: 256, 768>}, {pipeline_mode = #tpu.pipeline_mode<synchronous>, transform_indices = @transform_3, window_bounds = array<i64: 1, 768>}, {pipeline_mode = #tpu.pipeline_mode<synchronous>, transform_indices = @transform_4, window_bounds = array<i64: 1, 768>}, {transform_indices = @transform_5, window_bounds = array<i64: 256, 768>}]} {
    %get3A = arith.constant 0 : index
    %get3A_0 = arith.constant 0 : index
    %get3A_1 = vector.load %arg1[%get3A, %get3A_0] : memref<256x2xi32, #tpu.memory_space<vmem>>, vector<256x2xi32>
    %slice3A = vector.extract_strided_slice %get3A_1 {offsets = [0, 0], sizes = [256, 1], strides = [1, 1]} : vector<256x2xi32> to vector<256x1xi32>
    %slice3A_2 = vector.extract_strided_slice %get3A_1 {offsets = [0, 1], sizes = [256, 1], strides = [1, 1]} : vector<256x2xi32> to vector<256x1xi32>
    %iota3A = tpu.iota {dimensions = array<i32: 1>} : vector<256x5120xi32>
    %eq3A = vector.broadcast %slice3A : vector<256x1xi32> to vector<256x5120xi32>
    %eq3A_3 = arith.cmpi eq, %iota3A, %eq3A : vector<256x5120xi32>
    %eq3A_4 = vector.broadcast %slice3A_2 : vector<256x1xi32> to vector<256x5120xi32>
    %eq3A_5 = arith.cmpi eq, %iota3A, %eq3A_4 : vector<256x5120xi32>
    %or3A = arith.ori %eq3A_3, %eq3A_5 : vector<256x5120xi1>
    %convert_element_type3A = arith.extui %or3A : vector<256x5120xi1> to vector<256x5120xi32>
    %convert_element_type3A_6 = arith.sitofp %convert_element_type3A : vector<256x5120xi32> to vector<256x5120xf32>
    %convert_element_type3A_7 = arith.truncf %convert_element_type3A_6 : vector<256x5120xf32> to vector<256x5120xbf16>
    %get3A_8 = arith.constant 0 : index
    %get3A_9 = arith.constant 0 : index
    %get3A_10 = vector.load %arg2[%get3A_8, %get3A_9] : memref<5120x768xbf16, #tpu.memory_space<vmem>>, vector<5120x768xbf16>
    %dot_general3A = arith.constant dense<0.000000e+00> : vector<256x768xf32>
    %dot_general3A_11 = tpu.matmul %convert_element_type3A_7, %get3A_10, %dot_general3A {dimension_numbers = #tpu.dot_dimension_numbers<[1], [0], [0], [1], [0, 0, 1, 1], [], []>, transpose_lhs_hint = false} : vector<256x5120xbf16>, vector<5120x768xbf16>, vector<256x768xf32> -> vector<256x768xf32>
    %get3A_12 = arith.constant 0 : index
    %get3A_13 = arith.constant 0 : index
    %get3A_14 = vector.load %arg3[%get3A_12, %get3A_13] : memref<256x768xf32, #tpu.memory_space<vmem>>, vector<256x768xf32>
    %add3A = arith.addf %get3A_14, %dot_general3A_11 : vector<256x768xf32>
    %reduce_sum3A = arith.constant dense<0.000000e+00> : vector<256xf32>
    %reduce_sum3A_15 = vector.multi_reduction <add>, %add3A, %reduce_sum3A [1] : vector<256x768xf32> to vector<256xf32>
    %broadcast_in_dim3A = vector.shape_cast %reduce_sum3A_15 : vector<256xf32> to vector<256x1xf32>
    %div3A = arith.constant 7.680000e+02 : f32
    %div3A_16 = vector.broadcast %div3A : f32 to vector<256x1xf32>
    %div3A_17 = arith.divf %broadcast_in_dim3A, %div3A_16 : vector<256x1xf32>
    %sub3A = vector.broadcast %div3A_17 : vector<256x1xf32> to vector<256x768xf32>
    %sub3A_18 = arith.subf %add3A, %sub3A : vector<256x768xf32>
    %integer_pow3A = arith.mulf %sub3A_18, %sub3A_18 : vector<256x768xf32>
    %reduce_sum3A_19 = arith.constant dense<0.000000e+00> : vector<256xf32>
    %reduce_sum3A_20 = vector.multi_reduction <add>, %integer_pow3A, %reduce_sum3A_19 [1] : vector<256x768xf32> to vector<256xf32>
    %broadcast_in_dim3A_21 = vector.shape_cast %reduce_sum3A_20 : vector<256xf32> to vector<256x1xf32>
    %div3A_22 = arith.constant 7.680000e+02 : f32
    %div3A_23 = vector.broadcast %div3A_22 : f32 to vector<256x1xf32>
    %div3A_24 = arith.divf %broadcast_in_dim3A_21, %div3A_23 : vector<256x1xf32>
    %sub3A_25 = vector.broadcast %div3A_17 : vector<256x1xf32> to vector<256x768xf32>
    %sub3A_26 = arith.subf %add3A, %sub3A_25 : vector<256x768xf32>
    %add3A_27 = arith.constant 9.99999974E-6 : f32
    %add3A_28 = vector.broadcast %add3A_27 : f32 to vector<256x1xf32>
    %add3A_29 = arith.addf %div3A_24, %add3A_28 : vector<256x1xf32>
    %rsqrt3A = math.rsqrt %add3A_29 : vector<256x1xf32>
    %mul3A = vector.broadcast %rsqrt3A : vector<256x1xf32> to vector<256x768xf32>
    %mul3A_30 = arith.mulf %sub3A_26, %mul3A : vector<256x768xf32>
    %get3A_31 = arith.constant 0 : index
    %get3A_32 = arith.constant 0 : index
    %get3A_33 = vector.load %arg4[%get3A_31, %get3A_32] : memref<1x768xf32, #tpu.memory_space<vmem>>, vector<1x768xf32>
    %mul3A_34 = vector.broadcast %get3A_33 : vector<1x768xf32> to vector<256x768xf32>
    %mul3A_35 = arith.mulf %mul3A_30, %mul3A_34 : vector<256x768xf32>
    %get3A_36 = arith.constant 0 : index
    %get3A_37 = arith.constant 0 : index
    %get3A_38 = vector.load %arg5[%get3A_36, %get3A_37] : memref<1x768xf32, #tpu.memory_space<vmem>>, vector<1x768xf32>
    %add3A_39 = vector.broadcast %get3A_38 : vector<1x768xf32> to vector<256x768xf32>
    %add3A_40 = arith.addf %mul3A_35, %add3A_39 : vector<256x768xf32>
    %swap3A = arith.constant 0 : index
    %swap3A_41 = arith.constant 0 : index
    %swap3A_42 = vector.load %arg6[%swap3A, %swap3A_41] : memref<256x768xf32, #tpu.memory_space<vmem>>, vector<256x768xf32>
    tpu.vector_store %arg6[%swap3A, %swap3A_41], %add3A_40 {strides = array<i32>} : memref<256x768xf32, #tpu.memory_space<vmem>>, vector<256x768xf32>,
    return
  }
  func.func @transform_0(%arg0: i32) -> (i32, i32) {
    %c0_i32 = arith.constant 0 : i32
    %c0_i32_0 = arith.constant 0 : i32
    return %arg0, %c0_i32 : i32, i32
  }
  func.func @transform_1(%arg0: i32) -> (i32, i32) {
    %c0_i32 = arith.constant 0 : i32
    %c0_i32_0 = arith.constant 0 : i32
    %c0_i32_1 = arith.constant 0 : i32
    return %c0_i32, %c0_i32_0 : i32, i32
  }
  func.func @transform_2(%arg0: i32) -> (i32, i32) {
    %c0_i32 = arith.constant 0 : i32
    %c0_i32_0 = arith.constant 0 : i32
    return %arg0, %c0_i32 : i32, i32
  }
  func.func @transform_3(%arg0: i32) -> (i32, i32) {
    %c0_i32 = arith.constant 0 : i32
    %c0_i32_0 = arith.constant 0 : i32
    %c0_i32_1 = arith.constant 0 : i32
    return %c0_i32, %c0_i32_0 : i32, i32
  }
  func.func @transform_4(%arg0: i32) -> (i32, i32) {
    %c0_i32 = arith.constant 0 : i32
    %c0_i32_0 = arith.constant 0 : i32
    %c0_i32_1 = arith.constant 0 : i32
    return %c0_i32, %c0_i32_0 : i32, i32
  }
  func.func @transform_5(%arg0: i32) -> (i32, i32) {
    %c0_i32 = arith.constant 0 : i32
    %c0_i32_0 = arith.constant 0 : i32
    return %arg0, %c0_i32 : i32, i32
  }
}

</mosaic_0001>

<sc_bundles>
// kernel: gather_offload_async_start
scs
__scs_entry_jumppad:
0x0: {  	(pc) =	sbr.rel $0x88, $3  }
0x1: {  	(tag) =	ssettag $0x0;
	lr =	simm.s32 $0x1  }
0x2: {  	[smem:$0x3F92] =	sst lr;
	_ =	strace $0xD0000000  }
0x3: {  	_ = 	snop  }
0x4: {  	_ = 	snop  }
0x5: {  	_ = 	snop  }
0x6: {  	_ = 	snop  }
0x7: {  	_ = 	snop  }
__scs_overlays_trampoline_lowered:
0x8: {  	[smem:$0x3FA1] =	sst s0  }
0x9: {  	[smem:$0x3FA2] =	sst s1  }
0xa: {  	[smem:$0x3FA3] =	sst s2  }
0xb: {  	[smem:$0x3FA4] =	sst s3  }
0xc: {  	[smem:$0x3FA5] =	sst s4  }
0xd: {  	[smem:$0x3FA6] =	sst s5  }
0xe: {  	[smem:$0x3FA7] =	sst s6  }
0xf: {  	[smem:$0x3FA8] =	sst s7  }
0x10: {  	[smem:$0x3FA9] =	sst s8  }
0x11: {  	[smem:$0x3FAA] =	sst s9;
	s0 =	simm.s32 @!p0 $0x0  }
0x12: {  	s1 =	sld [smem:$0x3F90];
	s0 =	simm.s32 @p0 $0x1  }
0x13: {  	[smem:$0x3FAB] =	sst s0;
	s0 =	simm.s32 @!p1 $0x0  }
0x14: {  	s2 =	sld [smem:$0x3F8F];
	s0 =	simm.s32 @p1 $0x1  }
0x15: {  	[smem:$0x3FAC] =	sst s0;
	s0 =	simm.s32 @!p2 $0x0  }
0x16: {  	s3 =	sld [smem:$0x3FDB];
	s0 =	simm.s32 @p2 $0x1  }
0x17: {  	s4 =	simm.s32 $0x1BF5;
	[smem:$0x3FAE] =	sst s0  }
0x18: {  	s0 =	sld [smem:$0x3F91];
	_ =	swait.ge [sflag:s4], $0x0  }
0x19: {  	s7 =	sld [smem:$0x3F92]  }
0x1a: {  	s8 =	sadd.s32 $0xFFFFE003, lr  }
0x1b: {  	s9 =	sadd.s32 $0xFFFFFEF7, lr;
	s5 =	simm.s32 $0xFFFFFFFF;
	p2 =	slt.u32 s8, $0xFFFFF086  }
0x1c: {  	p1 =	slt.u32 s9, $0xF7A;
	s5 =	simm.s32 @!p2 $0x0  }
0x1d: {  	s5 =	simm.s32 @p1 $0x1;
	p0 =	seq.s32 s7, s2  }
0x1e: {  	s7 =	smul.u32 @!p0 $0xF7A, s2;
	p2 =	seq.s32 @!p0 s5, $0x0  }
0x1f: {  	s9 =	smul.u32 $0xF7A, s1;
	s8 =	simm.s32 @!p0 $0x1BF5;
	p2 =	por !p2, p0  }
0x20: {  	[sflag:s8] =	ssyncset.s32 @!p0 $0xFFFFF086;
	s6 =	sadd.s32 @!p0 s3, s7;
	s7 =	simm.s32 @!p0 $0x108  }
0x21: {  	s3 =	sadd.s32 s3, s9;
	s6 =	sadd.s32 @!p0 $0x88, s6;
	s7 =	simm.s32 @p2 $0x1082  }
0x22: {  	[simem:s7], [sflag:s8] =	dma.local @!p0 [hbm:s6], $0xF7A  }
0x23: {  	s9 =	sor.u32 $0xD0000000, s2;
	s6 =	simm.s32 $0x108;
	_ =	swait.ge @!p0 [sflag:s8], $0x0  }
0x24: {  	s3 =	sadd.s32 $0x88, s3;
	s6 =	simm.s32 @!p1 $0x1082;
	[sflag:s4] =	ssyncset.s32 $0xFFFFF086  }
0x25: {  	[simem:s6], [sflag:s4] =	dma.local [hbm:s3], $0xF7A  }
0x26: {  	[smem:$0x3F92] =	sst s1;
	(tag) =	ssettag s2;
	_ =	strace s9  }
0x27: {  	s1 =	sld [smem:$0x3FA2]  }
0x28: {  	s2 =	sld [smem:$0x3FA3]  }
0x29: {  	s4 =	sld [smem:$0x3FA5]  }
0x2a: {  	p0 =	seq.s32 s5, $0x0;
	s5 =	sld [smem:$0x3FA6]  }
0x2b: {  	s6 =	sld [smem:$0x3FA7]  }
0x2c: {  	s7 =	sld [smem:$0x3FA8]  }
0x2d: {  	s3 =	simm.s32 $0x108;
	s8 =	sld [smem:$0x3FA9]  }
0x2e: {  	s3 =	simm.s32 @!p0 $0x1082;
	s9 =	sld [smem:$0x3FAA]  }
0x2f: {  	lr =	sadd.s32 s0, s3;
	s0 =	sld [smem:$0x3FA1]  }
0x30: {  	s3 =	sld [smem:$0x3FA4]  }
0x31: {  	[smem:$0x3FAD] =	sst s10  }
0x32: {  	s10 =	sld [smem:$0x3FAB];
	_ =	sdelay $0x3  }
0x33: {  	p0 =	seq.s32 s10, $0x1;
	s10 =	sld [smem:$0x3FAD];
	_ =	sdelay $0x3  }
0x34: {  	[smem:$0x3FAD] =	sst s10  }
0x35: {  	s10 =	sld [smem:$0x3FAC];
	_ =	sdelay $0x3  }
0x36: {  	p1 =	seq.s32 s10, $0x1;
	s10 =	sld [smem:$0x3FAD];
	_ =	sdelay $0x3  }
0x37: {  	[smem:$0x3FAD] =	sst s10  }
0x38: {  	s10 =	sld [smem:$0x3FAE]  }
0x39: {  	_ = 	snop;
	(pc) =	sbr.ind lr, $3  }
0x3a: {  	_ = 	snop  }
0x3b: {  	_ = 	snop  }
0x3c: {  	p2 =	seq.s32 s10, $0x1;
	s10 =	sld [smem:$0x3FAD]  }
0x3d: {  	_ =	shalt  }
0x3e: {  	_ =	shalt  }
0x3f: {  	_ =	shalt  }
0x40: {  	_ =	shalt  }
0x41: {  	_ =	shalt  }
0x42: {  	_ =	shalt  }
0x43: {  	_ =	shalt  }
0x44: {  	_ =	shalt  }
0x45: {  	_ =	shalt  }
0x46: {  	_ =	shalt  }
0x47: {  	_ =	shalt  }
0x48: {  	_ =	shalt  }
0x49: {  	_ =	shalt  }
0x4a: {  	_ =	shalt  }
0x4b: {  	_ =	shalt  }
0x4c: {  	_ =	shalt  }
0x4d: {  	_ =	shalt  }
0x4e: {  	_ =	shalt  }
0x4f: {  	_ =	shalt  }
0x50: {  	_ =	shalt  }
0x51: {  	_ =	shalt  }
0x52: {  	_ =	shalt  }
0x53: {  	_ =	shalt  }
0x54: {  	_ =	shalt  }
0x55: {  	_ =	shalt  }
0x56: {  	_ =	shalt  }
0x57: {  	_ =	shalt  }
0x58: {  	_ =	shalt  }
0x59: {  	_ =	shalt  }
0x5a: {  	_ =	shalt  }
0x5b: {  	_ =	shalt  }
0x5c: {  	_ =	shalt  }
0x5d: {  	_ =	shalt  }
0x5e: {  	_ =	shalt  }
0x5f: {  	_ =	shalt  }
0x60: {  	_ =	shalt  }
0x61: {  	_ =	shalt  }
0x62: {  	_ =	shalt  }
0x63: {  	_ =	shalt  }
0x64: {  	_ =	shalt  }
0x65: {  	_ =	shalt  }
0x66: {  	_ =	shalt  }
0x67: {  	_ =	shalt  }
0x68: {  	_ =	shalt  }
0x69: {  	_ =	shalt  }
0x6a: {  	_ =	shalt  }
0x6b: {  	_ =	shalt  }
0x6c: {  	_ =	shalt  }
0x6d: {  	_ =	shalt  }
0x6e: {  	_ =	shalt  }
0x6f: {  	_ =	shalt  }
0x70: {  	_ =	shalt  }
0x71: {  	_ =	shalt  }
0x72: {  	_ =	shalt  }
0x73: {  	_ =	shalt  }
0x74: {  	_ =	shalt  }
0x75: {  	_ =	shalt  }
0x76: {  	_ =	shalt  }
0x77: {  	_ =	shalt  }
0x78: {  	_ =	shalt  }
0x79: {  	_ =	shalt  }
0x7a: {  	_ =	shalt  }
0x7b: {  	_ =	shalt  }
0x7c: {  	_ =	shalt  }
0x7d: {  	_ =	shalt  }
0x7e: {  	_ =	shalt  }
0x7f: {  	_ =	shalt  }
0x80: {  	_ =	shalt  }
0x81: {  	_ =	shalt  }
0x82: {  	_ =	shalt  }
0x83: {  	_ =	shalt  }
0x84: {  	_ =	shalt  }
0x85: {  	_ =	shalt  }
0x86: {  	_ =	shalt  }
0x87: {  	_ =	shalt  }
.Lfunc_end0:
.L_simem_size_0:
called_computation_lowered:
.L_overlay_start_0:
0x88: {  	s2 =	sld [smem:$0x3FD9]  }
0x89: {  	s3 =	sld [smem:$0x3FFE];
	_ =	sdelay $0x1  }
0x8a: {  	s1 =	srdreg.scid  }
0x8b: {  	s0 =	sand.u32 $0x1, s1  }
0x8c: {  	s16 =	sshll.u32 s0, $0xA;
	s2 =	sadd.s32 s3, s2  }
0x8d: {  	s2 =	sadd.s32 s2, s16  }
0x8e: {  	[smem:$0x3FB9] =	sst s2  }
0x8f: {  	_ = 	snop  }
0x90: {  	(tm) =	ssettm $0x1  }
0x91: {  	s17 =	sld [smem:$0x3FFB];
	_ =	sdelay $0x3  }
0x92: {  	_ =	strace s17  }
0x93: {  	s2 =	sld [smem:$0x3FFC];
	_ =	sdelay $0x3  }
0x94: {  	_ =	strace s2  }
0x95: {  	s2 =	sld [smem:$0x3FFD];
	_ =	sdelay $0x3  }
0x96: {  	_ =	strace s2  }
0x97: {  	_ =	strace $0x8FFFFFFF  }
0x98: {  	s18 =	sld [smem:$0x3FDB];
	_ =	sdelay $0x1  }
0x99: {  	s19 =	simm.s32 $_scs_section_size  }
0x9a: {  	s4 =	simm.s32 $_size__tile_overlayer_lowered;
	s5 =	simm.s32 $_tile_overlayer_lowered  }
0x9b: {  	s22 =	simm.s32 $0x1BFF;
	s21 =	sshll.u32 s5, $0x1;
	s2 =	sadd.s32 s19, s18  }
0x9c: {  	s6 =	simm.s32 $0x0;
	s20 =	sshll.u32 s4, $0x1;
	s4 =	sadd.s32 s21, s2  }
0x9d: {  	[timem:s6], [sflag:s22] =	dma.local [hbm:s4], s20  }
0x9e: {  	_ =	swait.ge [sflag:s22], s20  }
0x9f: {  	s3 =	ssub.s32 $0x0, s20;
	[sflag:s22] =	ssyncset.done $0x0  }
0xa0: {  	[sflag:s22] =	ssyncadd.s32 s3;
	_ =	sdelay $0x1  }
0xa1: {  	s23 =	simm.s32 $0x1B8B  }
0xa2: {  	_ =	swait.ge [sflag:s23], $0x1  }
0xa3: {  	[sflag:s23] =	ssyncset.done $0x0  }
0xa4: {  	s25 =	simm.s32 $0x1B8E;
	s24 =	sld [smem:$0x3FFE];
	[sflag:s23] =	ssyncadd.s32 $0xFFFFFFFF  }
0xa5: {  	s26 =	simm.s32 $execute0_lowered;
	[smem:$0x3FD2] =	sst s25  }
0xa6: {  	s4 =	sshll.u32 s26, $0x1;
	_ =	strace $0x80000046;
	[dreg:$0x1] =	wrdreg $0xFFFFFFFF  }
0xa7: {  	s28 =	simm.s32 $_size_execute0_lowered;
	s2 =	sadd.s32 s2, s4;
	[dreg:$0x0] =	wrdreg $0x0  }
0xa8: {  	s4 =	sshll.u32 s28, $0x1;
	[dreg:$0x2] =	wrdreg s2  }
0xa9: {  	[dreg:$0x3] =	wrdreg s4  }
0xaa: {  	[dreg:$0x4] =	wrdreg $0xC0  }
0xab: {  	_ =	task [dreg:s6], $0x5FFFF  }
0xac: {  	[dreg:$0x1] =	wrdreg $0xFFFFFFFF  }
0xad: {  	[dreg:$0x0] =	wrdreg $0x60  }
0xae: {  	[dreg:$0x2] =	wrdreg s24  }
0xaf: {  	[dreg:$0x3] =	wrdreg $0x9  }
0xb0: {  	_ =	task.clear_ibuf [dreg:s6], $0x4FFFF;
	_ =	strace $0x90000046  }
0xb1: {  	s29 =	simm.s32 $0x9;
	_ =	strace $0x80000048  }
0xb2: {  	_ =	swait.ge [sflag:s29], $0x1  }
0xb3: {  	[sflag:s29] =	ssyncadd.s32 $0xFFFFFFFF  }
0xb4: {  	_ =	strace $0x90000048  }
0xb5: {  	_ =	sfence  }
0xb6: {  	s30 =	sld [smem:$0x0];
	_ =	sdelay $0x2  }
0xb7: {  	s31 =	sshll.u32 s1, $0xD;
	s1 =	sshrl.u32 s1, $0x2  }
0xb8: {  	s3 =	sand.u32 $0x4000, s31;
	s1 =	sadd.s32 s1, s30  }
0xb9: {  	s0 =	sor.u32 s3, s0;
	s1 =	sshll.u32 s1, $0x11  }
0xba: {  	s0 =	sor.u32 s1, s0  }
0xbb: {  	s0 =	sadd.s32 $0x8F2B, s0  }
0xbc: {  	[sflag:s0] =	ssyncadd.remote.s32 $0x1  }
0xbd: {  	_ =	sfence.sel $0xFFFF  }
0xbe: {  	[dreg:$0x0] =	wrdreg $0xFFFFFFFF;
	(pc) =	sbr.abs _section_cstart, $3  }
0xbf: {  	[dreg:$0x1] =	wrdreg $0xFFFFFFFF  }
0xc0: {  	_ =	task.clear_ibuf [dreg:s6], $0x2FFFF;
	_ =	strace $0x9FFFFFFF  }
0xc1: {  	(tm) =	ssettm $0x7FFFFFFF  }
tec
execute0_lowered:
.L_overlay_start_1:
0x0: {  	(tag) =	ssettag $0x1  }
0x1: {  	s0 =	srdreg.scid;
	s5 =	rddreg [dreg:$0x0]  }
0x2: {  	s1 =	stileid.u32;
	s6 =	simm.s32 $0x1;
	s9 =	simm.s32 $0x1  }
0x3: {  	s10 =	simm.s32 $0x3;
	s13 =	simm.s32 $0x0;
	s2 =	sshll.u32 s0, $0x6  }
0x4: {  	s12 =	simm.s32 $0x0;
	s3 =	sshll.u32 s1, $0x7;
	s2 =	sand.u32 $0x40, s2  }
0x5: {  	s0 =	rddreg [dreg:$0x1];
	_ =	strace $0x80000047;
	s2 =	sor.u32 s3, s2  }
0x6: {  	s4 =	sadd.s32 $0x1E00, s5;
	[sflag:s6] =	ssyncpa.u1 $0x0;
	s8 =	ssub.s32 $0x1000, s2  }
.Ltmp0:
0x7: {  	s3 =	sadd.s32 $0xE00, s5;
	s7 =	sand.u32 $0x7C0, s8;
	(pc) =	sbr.rel .LBB2_1-.Ltmp0, $4  }
0x8: {  	s5 =	sadd.s32 $0x242000, s5;
	s11 =	smov.u32 s2;
	p0 =	sne.s32 s7, $0x0  }
0x9: {  	s8 =	sshrl.u32 s8, $0xB;
	s7 =	simm.s32 $0x2;
	s9 =	simm.s32 @!p0 $0x0  }
0xa: {  	[sflag:s7] =	ssyncpa.u1 $0x0;
	p0 =	por $0x0, $0x0;
	s8 =	sadd.s32 s9, s8  }
0xb: {  	vm0 =	vmmov $0xffff;
	[sflag:s10] =	ssyncpa.u1 $0x0;
	s10 =	simm.s32 $0x0;
	s9 =	sadd.s32 $0x1, s8  }
.LBB2_4:
0xc: {  	v1 =	vsel vm1, $0xFFFFFFFF, v1;
	v2 =	vand.u32 $0x7, v2  }
0xd: {  	v2 =	vsel vm1, $0xFFFFFFFF, v2;
	v3 =	vshll.u32 v1, $0x3  }
0xe: {  	v4 =	vand.u32 $0xFFFF8000, v2;
	v3 =	vand.u32 $0xFFFFFC00, v3;
	v2 =	vshll.u32 v2, $0x7  }
0xf: {  	v3 =	vadd.s32 v3, v4;
	v2 =	vand.u32 $0x380, v2  }
0x10: {  	v1 =	vand.u32 $0x7F, v1;
	v2 =	vor.u32 v2, v3  }
0x11: {  	v1 =	vor.u32 v1, v2;
	_ =	sdelay $0x1  }
0x12: {  	(ifvalue) =	ssetifvalue $0x7FFFFFFF;
	s15 =	sadd.s32 $0x10, s15  }
0x13: {  	[tilespmem:s15], [sflag:$0x1] =	stream.indirect_vreg.gather [hbm4b:s3+s10], $0x1, v0, vm0, $0x4038;
	[tilespmem:$0x100] =	vst v63  }
0x14: {  	(ifvalue) =	ssetifvalue $0x7FFFFFFF;
	s15 =	sadd.s32 $0x10, s15  }
0x15: {  	[tilespmem:s15], [sflag:$0x1] =	stream.indirect_vreg.gather [hbm4b:s3+s10], $0x1, v1, vm0, $0x4038;
	[tilespmem:$0x100] =	vst v63  }
0x16: {  	_ =	swait.ge [sflag:s6], $0x40  }
0x17: {  	s30 =	sshrl.u32 s13, $0x3;
	[sflag:s6] =	ssyncset.done $0x0  }
0x18: {  	s31 =	sand.u32 $0x7, s13;
	s15 =	sadd.s32 s5, s30;
	[sflag:s6] =	ssyncadd.s32 $0xFFFFFFC0  }
0x19: {  	[hbm4b:s15+s31] =	stream.linear.scatter [tilespmem:s14], [sflag:$0x3], $0x40, $0x38;
	[tilespmem:$0x100] =	vst v63  }
.LBB2_5:
0x1a: {  	s15 =	sadd.s32 $0x800, s11  }
0x1b: {  	p2 =	sgt.s32 s15, $0xFFF  }
0x1c: {  	s15 =	smov.u32 @p2 s2;
	p2 =	sne.s32 s12, s9  }
.Ltmp1:
0x1d: {  	p1 =	slt.u32 s12, $0x2;
	(pc) =	sbr.rel @!p2 .LBB2_6-.Ltmp1, $4  }
0x1e: {  	s14 =	simm.s32 @!p1 $0x3  }
0x1f: {  	s16 =	sadd.s32 $0x1, s12;
	_ =	swait.ge @!p1 [sflag:s14], $0x40  }
0x20: {  	s13 =	smov.u32 s11;
	p0 =	por !p0, !p0;
	[sflag:s14] =	ssyncset.done @!p1 $0x0  }
0x21: {  	s12 =	smov.u32 s16;
	s11 =	smov.u32 s15;
	[sflag:s14] =	ssyncadd.s32 @!p1 $0xFFFFFFC0  }
.LBB2_1:
0x22: {  	p1 =	sge.u32 s12, s8  }
0x23: {  	s14 =	sxor.u32 @!p1 $0xFFFFFFFF, s12  }
0x24: {  	s31 =	sadd.s32 $0xFFFFFFFF, s12;
	s15 =	sshrl.u32 @!p1 s11, $0x3;
	s14 =	sshll.u32 @!p1 s14, $0x6  }
0x25: {  	s16 =	sand.u32 @!p1 $0x7, s11;
	s15 =	sadd.s32 @!p1 s4, s15;
	s14 =	sand.u32 @!p1 $0x40, s14  }
0x26: {  	[tilespmem:s14], [sflag:$0x2] =	stream.linear.gather @!p1 [hbm4b:s15+s16], $0x40, $0x38;
	[tilespmem:$0x100] =	vst v63  }
0x27: {  	p1 =	sge.u32 s31, s8  }
.Ltmp2:
0x28: {  	_ = 	snop;
	(pc) =	sbr.rel @p1 .LBB2_5-.Ltmp2, $1  }
0x29: {  	_ =	sdelay $0x3  }
0x2a: {  	s14 =	simm.s32 $0x1  }
0x2b: {  	_ =	swait.ge [sflag:s7], $0x40;
	s14 =	simm.s32 @!p0 $0x0  }
0x2c: {  	[sflag:s7] =	ssyncset.done $0x0;
	s14 =	sshll.u32 s14, $0x6  }
0x2d: {  	[sflag:s7] =	ssyncadd.s32 $0xFFFFFFC0;
	(ifvalue) =	ssetifvalue $0x7FFFFFFF;
	v0 =	vld.msk [tilespmem:s14+$0x0 ss:$0x1], $0xffff;
	_ =	sdelay $0x3  }
0x2e: {  	s15 =	sadd.s32 $0x10, s14  }
0x2f: {  	v2 =	vld.msk [tilespmem:s15+$0x0 ss:$0x1], $0xffff;
	vm1 =	veq.s32 v0, $0x80000000;
	v1 =	vand.u32 $0xFFF, v0;
	v0 =	vshrl.u32 v0, $0xC  }
0x30: {  	v1 =	vsel vm1, $0xFFFFFFFF, v1;
	v0 =	vand.u32 $0x7, v0  }
0x31: {  	v0 =	vsel vm1, $0xFFFFFFFF, v0;
	v3 =	vshll.u32 v1, $0x3  }
0x32: {  	v4 =	vand.u32 $0xFFFF8000, v0;
	v3 =	vand.u32 $0xFFFFFC00, v3;
	v0 =	vshll.u32 v0, $0x7  }
0x33: {  	v3 =	vadd.s32 v3, v4;
	v0 =	vand.u32 $0x380, v0  }
0x34: {  	v1 =	vand.u32 $0x7F, v1;
	vm1 =	veq.s32 v2, $0x80000000;
	v0 =	vor.u32 v0, v3  }
0x35: {  	v0 =	vor.u32 v1, v0;
	v1 =	vand.u32 $0xFFF, v2;
	v2 =	vshrl.u32 v2, $0xC  }
0x36: {  	s17 =	sadd.s32 $0x10, s15;
	v1 =	vsel vm1, $0xFFFFFFFF, v1;
	v2 =	vand.u32 $0x7, v2  }
0x37: {  	v3 =	vld.msk [tilespmem:s17+$0x0 ss:$0x1], $0xffff;
	v2 =	vsel vm1, $0xFFFFFFFF, v2;
	v63 =	vshll.u32 v1, $0x3  }
0x38: {  	v5 =	vand.u32 $0xFFFF8000, v2;
	v4 =	vand.u32 $0xFFFFFC00, v63;
	v2 =	vshll.u32 v2, $0x7  }
0x39: {  	s31 =	sshll.u32 s12, $0x6;
	s15 =	sor.u32 $0x80, s14;
	(ifvalue) =	ssetifvalue $0x7FFFFFFF;
	v4 =	vadd.s32 v4, v5;
	v2 =	vand.u32 $0x380, v2  }
0x3a: {  	[tilespmem:s15], [sflag:$0x1] =	stream.indirect_vreg.gather [hbm4b:s3+s10], $0x1, v0, vm0, $0x4038;
	v0 =	vand.u32 $0x7F, v1;
	v1 =	vor.u32 v2, v4;
	[tilespmem:$0x100] =	vst v63  }
0x3b: {  	s14 =	sand.u32 $0x40, s31;
	v0 =	vor.u32 v0, v1  }
0x3c: {  	s16 =	simm.s32 $0x20;
	s14 =	sor.u32 $0x80, s14;
	s17 =	sadd.s32 $0x10, s17;
	vm1 =	veq.s32 v3, $0x80000000;
	v2 =	vshrl.u32 v3, $0xC;
	v1 =	vand.u32 $0xFFF, v3  }
.LBB2_3:
0x3d: {  	v3 =	vld.msk [tilespmem:s17+$0x0 ss:$0x1], $0xffff;
	s16 =	sadd.s32 $0x10, s16;
	v1 =	vsel vm1, $0xFFFFFFFF, v1;
	v2 =	vand.u32 $0x7, v2  }
0x3e: {  	p1 =	slt.u32 s16, $0x30;
	v2 =	vsel vm1, $0xFFFFFFFF, v2;
	v4 =	vshll.u32 v1, $0x3  }
.Ltmp3:
0x3f: {  	s15 =	sadd.s32 $0x10, s15;
	v5 =	vand.u32 $0xFFFF8000, v2;
	v4 =	vand.u32 $0xFFFFFC00, v4;
	v2 =	vshll.u32 v2, $0x7;
	(ifvalue) =	ssetifvalue $0x7FFFFFFF;
	(pc) =	sbr.rel @p1 .LBB2_3-.Ltmp3, $4  }
0x40: {  	v4 =	vadd.s32 v4, v5;
	v2 =	vand.u32 $0x380, v2;
	[tilespmem:s15], [sflag:$0x1] =	stream.indirect_vreg.gather [hbm4b:s3+s10], $0x1, v0, vm0, $0x4038;
	[tilespmem:$0x100] =	vst v63  }
0x41: {  	v0 =	vand.u32 $0x7F, v1;
	v1 =	vor.u32 v2, v4  }
0x42: {  	v0 =	vor.u32 v0, v1  }
0x43: {  	s17 =	sadd.s32 $0x10, s17;
	vm1 =	veq.s32 v3, $0x80000000;
	v1 =	vand.u32 $0xFFF, v3;
	v2 =	vshrl.u32 v3, $0xC  }
.Ltmp4:
0x44: {  	_ = 	snop;
	(pc) =	sbr.rel .LBB2_4-.Ltmp4, $1  }
0x45: {  	_ =	sdelay $0x3  }
.LBB2_6:
0x46: {  	_ =	sfence.sel $0x180000  }
0x47: {  	s2 =	simm.s32 $0x2;
	[bflag:$0x0] =	sbarrier.arrive $0xFFFF  }
0x48: {  	s30 =	simm.s32 $0x3;
	[sflag:s2] =	ssyncpa.u1 $0x1  }
0x49: {  	s31 =	simm.s32 $0x1;
	[sflag:s30] =	ssyncpa.u1 $0x1  }
0x4a: {  	[sflag:s31] =	ssyncpa.u1 $0x1  }
0x4b: {  	p0 =	sne.s32 s1, $0x0;
	_ =	strace $0x90000047  }
0x4c: {  	s0 =	sadd.s32 @!p0 $0x100000, s0;
	[bflag:$0x2] =	sbarrier.arrive $0xFFFF  }
0x4d: {  	[sflag:s0] =	ssyncadd.tile.s32 @!p0 $0x1;
	_ =	shalt  }
.Lfunc_end2:
_tile_overlayer_lowered:
.L_overlay_start_2:
0x4e: {  	(tag) =	ssettag $0x2  }
0x4f: {  	s0 =	rddreg [dreg:$0x0];
	s2 =	stileid.u32  }
0x50: {  	s1 =	rddreg [dreg:$0x1];
	p0 =	sne.s32 s2, $0x0  }
0x51: {  	s3 =	rddreg [dreg:$0x2];
	[bflag:$0x3] =	sbarrier.arrive $0xFFFF;
	s2 =	simm.s32 @!p0 $0x1C01  }
0x52: {  	[timem:s3], [sflag:s2] =	dma.local @!p0 [hbm:s0], s1  }
0x53: {  	s0 =	simm.s32 @!p0 $0x1  }
0x54: {  	_ =	swait.ge @!p0 [sflag:s0], s1  }
0x55: {  	s1 =	ssub.s32 @!p0 $0x0, s1;
	[sflag:s0] =	ssyncset.done @!p0 $0x0  }
0x56: {  	[sflag:s0] =	ssyncadd.s32 @!p0 s1  }
0x57: {  	[bflag:$0x3] =	sbarrier.arrive $0xFFFF  }
0x58: {  	_ =	shalt  }

</sc_bundles>
